<compile_context>
chip_gen: v7x
topology: tpu7x:2x2x1
jax: 0.10.2.dev20260603
libtpu: 0.0.44.dev20260713+nightly
codegen_flags: <defaults>
</compile_context>

<pallas_src>
import functools

import jax
import jax.numpy as jnp
from jax.experimental import pallas as pl
from jax.experimental.pallas import tpu as pltpu
from jax.experimental.pallas import tpu_sc as plsc

RATE_ = 0.7
SMOOTH_ = 0.1


def _row_stats_kernel(x_ref, tgt_ref, loss_ref, *, a, b):
    x = x_ref[...]
    tgt = tgt_ref[0, 0, :]
    rb, c = x.shape
    s = jnp.sum(jnp.exp(x), axis=1)
    lse = jnp.log(s)
    cols = jax.lax.broadcasted_iota(jnp.int32, (rb, c), 1)
    w = jnp.where(cols == tgt[:, None], a + b, a)
    wsum = jnp.sum(x * w, axis=1)
    loss_ref[0, 0, :] = lse - wsum


def _topk_sum_kernel(l_ref, out_ref, *, k):
    x = l_ref[...]
    i = jax.lax.bitcast_convert_type(x, jnp.int32)
    key = i ^ jax.lax.shift_right_arithmetic(i, 31) & jnp.int32(0x7FFFFFFF)

    def body(_, carry):
        lo, hi = carry
        mid0 = (lo & hi) + jax.lax.shift_right_arithmetic(lo ^ hi, 1)
        mid = mid0 + 1
        cnt = jnp.sum((key >= mid).astype(jnp.int32))
        active = lo < hi
        pred = jnp.logical_and(active, cnt >= k)
        nlo = jnp.where(pred, mid, lo)
        nhi = jnp.where(jnp.logical_and(active, cnt < k), mid0, hi)
        return nlo, nhi

    lo0 = jnp.int32(-2147483647) - 1
    hi0 = jnp.int32(2147483647)
    t, _ = jax.lax.fori_loop(0, 33, body, (lo0, hi0))
    gt = key > t
    cnt_gt = jnp.sum(gt.astype(jnp.int32))
    sum_gt = jnp.sum(jnp.where(gt, x, 0.0))
    tf = jax.lax.bitcast_convert_type(
        t ^ jax.lax.shift_right_arithmetic(t, 31) & jnp.int32(0x7FFFFFFF),
        jnp.float32,
    )
    res = (sum_gt + (k - cnt_gt).astype(jnp.float32) * tf) / k
    out_ref[...] = jnp.broadcast_to(res, (1, 1))


def _topk_merge_kernel(l_ref, se_ref, ws_ref, out_ref, *, k):
    l_sc = jnp.log(se_ref[...]) - ws_ref[...]
    x = jnp.concatenate([l_ref[...], l_sc], axis=0)
    i = jax.lax.bitcast_convert_type(x, jnp.int32)
    key = i ^ jax.lax.shift_right_arithmetic(i, 31) & jnp.int32(0x7FFFFFFF)

    def body(_, carry):
        lo, hi = carry
        mid0 = (lo & hi) + jax.lax.shift_right_arithmetic(lo ^ hi, 1)
        mid = mid0 + 1
        cnt = jnp.sum((key >= mid).astype(jnp.int32))
        active = lo < hi
        pred = jnp.logical_and(active, cnt >= k)
        nlo = jnp.where(pred, mid, lo)
        nhi = jnp.where(jnp.logical_and(active, cnt < k), mid0, hi)
        return nlo, nhi

    lo0 = jnp.int32(-2147483647) - 1
    hi0 = jnp.int32(2147483647)
    t, _ = jax.lax.fori_loop(0, 33, body, (lo0, hi0))
    gt = key > t
    cnt_gt = jnp.sum(gt.astype(jnp.int32))
    sum_gt = jnp.sum(jnp.where(gt, x, 0.0))
    tf = jax.lax.bitcast_convert_type(
        t ^ jax.lax.shift_right_arithmetic(t, 31) & jnp.int32(0x7FFFFFFF),
        jnp.float32,
    )
    res = (sum_gt + (k - cnt_gt).astype(jnp.float32) * tf) / k
    out_ref[...] = jnp.broadcast_to(res, (1, 1))


SC_F = 4096
SC_NW = 32
SC_RPW = SC_F // SC_NW
SC_G = 16


def _sc_rows_fn(a, b, B, C):
    mesh = plsc.VectorSubcoreMesh(core_axis_name="c", subcore_axis_name="s")
    ngroups = SC_RPW // SC_G

    @functools.partial(
        pl.kernel,
        mesh=mesh,
        compiler_params=pltpu.CompilerParams(needs_layout_passes=False),
        out_type=[
            jax.ShapeDtypeStruct((SC_F,), jnp.float32),
            jax.ShapeDtypeStruct((SC_F,), jnp.float32),
        ],
        scratch_types=[
            pltpu.VMEM((SC_G, C), jnp.float32),
            pltpu.VMEM((SC_G, C), jnp.float32),
            pltpu.VMEM((SC_RPW,), jnp.int32),
            pltpu.VMEM((SC_RPW,), jnp.float32),
            pltpu.VMEM((SC_RPW,), jnp.float32),
            pltpu.SemaphoreType.DMA,
            pltpu.SemaphoreType.DMA,
        ],
    )
    def sc_rows(x_hbm, tgt_hbm, se_hbm, ws_hbm, buf_a, buf_b, tgt_v, se_v,
                ws_v, sem_a, sem_b):
        wid = jax.lax.axis_index("s") * 2 + jax.lax.axis_index("c")
        base = (B - SC_F) + wid * SC_RPW
        pltpu.sync_copy(tgt_hbm.at[pl.ds(base, SC_RPW)], tgt_v)
        bufs = (buf_a, buf_b)
        sems = (sem_a, sem_b)
        row_iota = jax.lax.broadcasted_iota(jnp.int32, (SC_G,), 0)
        rowbase = row_iota * C

        def fill(par, g):
            return [
                pltpu.async_copy(
                    x_hbm.at[pl.ds(base + g * SC_G, SC_G)],
                    bufs[par],
                    sems[par],
                )
            ]

        copies = [None, None]
        copies[0] = fill(0, 0)
        for g in range(ngroups):
            par = g % 2
            if g + 1 < ngroups:
                copies[1 - par] = fill(1 - par, g + 1)
            for cp in copies[par]:
                cp.wait()
            buf = bufs[par]
            tg = tgt_v[pl.ds(g * SC_G, SC_G)]
            zeros = jnp.zeros((SC_G,), jnp.float32)
            nfull = (C - 1) // SC_G
            tail0 = C - SC_G

            def splat_sum(x):
                return plsc.cummax(jax.lax.rev(plsc.cumsum(x), (0,)))

            def splat_max(x):
                return plsc.cummax(jax.lax.rev(plsc.cummax(x), (0,)))

            def rowbody(r, carry):
                se_vec, ws_vec = carry
                lane = row_iota == r
                t_spl = splat_max(jnp.where(lane, tg, 0))

                def colbody(cc, acc):
                    acc_e, acc_x, acc_t, colid = acc
                    v = buf[r, pl.ds(cc * SC_G, SC_G)]
                    v8 = v + 8.0
                    return (
                        acc_e + jnp.exp(v),
                        acc_x + v8,
                        acc_t + jnp.where(colid == t_spl, v8, 0.0),
                        colid + SC_G,
                    )

                acc_e, acc_x, acc_t, _ = jax.lax.fori_loop(
                    0, nfull, colbody,
                    (zeros, zeros, zeros, row_iota))
                v = buf[r, pl.ds(tail0, SC_G)]
                colid = row_iota + tail0
                fresh = colid >= nfull * SC_G
                v8 = v + 8.0
                acc_e = acc_e + jnp.where(fresh, jnp.exp(v), 0.0)
                acc_x = acc_x + jnp.where(fresh, v8, 0.0)
                acc_t = acc_t + jnp.where(
                    jnp.logical_and(fresh, colid == t_spl), v8, 0.0)
                sum_e = splat_sum(acc_e)
                sum_x = splat_sum(acc_x) - (8.0 * C)
                sum_t = splat_sum(acc_t) - 8.0
                se_vec = jnp.where(lane, sum_e, se_vec)
                ws_vec = jnp.where(lane, a * sum_x + b * sum_t, ws_vec)
                return se_vec, ws_vec

            se_vec, ws_vec = jax.lax.fori_loop(
                0, SC_G, rowbody, (zeros, zeros))
            se_v[pl.ds(g * SC_G, SC_G)] = se_vec
            ws_v[pl.ds(g * SC_G, SC_G)] = ws_vec
        pltpu.sync_copy(se_v, se_hbm.at[pl.ds(wid * SC_RPW, SC_RPW)])
        pltpu.sync_copy(ws_v, ws_hbm.at[pl.ds(wid * SC_RPW, SC_RPW)])

    return sc_rows


@jax.jit
def kernel(input, target):
    B, C = input.shape
    a = SMOOTH_ / (C - 1)
    b = (1.0 - SMOOTH_) - a
    tgt32 = target.astype(jnp.int32)

    RB = 2048
    nb = (B - SC_F) // RB
    tgt = tgt32[: B - SC_F].reshape(nb, 1, RB)

    losses = pl.pallas_call(
        functools.partial(_row_stats_kernel, a=a, b=b),
        grid=(nb,),
        in_specs=[
            pl.BlockSpec((RB, C), lambda i: (i, 0)),
            pl.BlockSpec((1, 1, RB), lambda i: (i, 0, 0)),
        ],
        out_specs=pl.BlockSpec((1, 1, RB), lambda i: (i, 0, 0)),
        out_shape=jax.ShapeDtypeStruct((nb, 1, RB), jnp.float32),
        compiler_params=pltpu.CompilerParams(
            dimension_semantics=("parallel",),
        ),
    )(input, tgt)

    se, ws = _sc_rows_fn(a, b, B, C)(input, tgt32)

    k = min(B, int(B * RATE_))
    res = pl.pallas_call(
        functools.partial(_topk_merge_kernel, k=k),
        out_shape=jax.ShapeDtypeStruct((1, 1), jnp.float32),
    )(
        losses.reshape((B - SC_F) // 128, 128),
        se.reshape(SC_F // 128, 128),
        ws.reshape(SC_F // 128, 128),
    )
    return res.reshape(())

# --- scband reference (transcript-rebuilt; emitter-appended) ---
"""Pipeline reference for scband-ohemloss-77730318123467 (READ-ONLY COPY).

The authoritative reference and input builder live on the scoring server;
editing this copy changes nothing except your own understanding.
"""

import jax, jax.numpy as jnp
import numpy as np

RATE = 0.7
SMOOTH = 0.1

def setup_inputs(seed: int = 0) -> dict:
    key = jax.random.key(seed)
    k1, k2 = jax.random.split(key)
    inp = jax.random.normal(k1, (16384, 1000), dtype=jnp.float32)
    tgt = jax.random.randint(k2, (16384,), 0, 1000, dtype=jnp.int64 if jax.config.jax_enable_x64 else jnp.int32)
    return {"input": inp, "target": tgt}

def reference(input, target):
    B, C = input.shape
    # smooth one-hot targets (constant w.r.t. input)
    onehot = jnp.full((B, C), SMOOTH / (C - 1), dtype=input.dtype)
    onehot = onehot.at[jnp.arange(B), target].set(1.0 - SMOOTH)
    lsm = jax.nn.log_softmax(input, axis=-1)
    per_sample_loss = -(onehot * lsm).sum(-1)
    # OHEM: sort descending, keep top rate fraction
    keep_num = min(B, int(B * RATE))
    if keep_num < B:
        top_losses, _ = jax.lax.top_k(per_sample_loss, keep_num)
    else:
        top_losses = per_sample_loss
    loss = top_losses.sum() / keep_num
    return loss

if __name__ == "__main__":
    import jax
    _d = setup_inputs()
    print(jax.jit(kernel)(*tuple(_d.values())))

</pallas_src>

<mosaic_0001>
#map = affine_map<(d0, d1) -> (0, 0)>
#map1 = affine_map<(d0, d1) -> (0)>
module attributes {stable_mosaic.version = 14 : i64} {
  func.func @sc_rows(%arg0: i32, %arg1: i32, %arg2: memref<16384x1000xf32, #tpu.memory_space<hbm>>, %arg3: memref<16384xi32, #tpu.memory_space<hbm>>, %arg4: memref<4096xf32, #tpu.memory_space<hbm>>, %arg5: memref<4096xf32, #tpu.memory_space<hbm>>, %arg6: memref<16x1000xf32, #tpu.memory_space<vmem>>, %arg7: memref<16x1000xf32, #tpu.memory_space<vmem>>, %arg8: memref<128xi32, #tpu.memory_space<vmem>>, %arg9: memref<128xf32, #tpu.memory_space<vmem>>, %arg10: memref<128xf32, #tpu.memory_space<vmem>>, %arg11: memref<!tpu.dma_semaphore, #tpu.memory_space<semaphore_mem>>, %arg12: memref<!tpu.dma_semaphore, #tpu.memory_space<semaphore_mem>>) attributes {dimension_semantics = [#tpu.dimension_semantics<core_parallel>, #tpu.dimension_semantics<subcore_parallel>], iteration_bounds = array<i64: 2, 16>, scalar_prefetch = 0 : i64, scratch_operands = 7 : i64, tpu.core_type = #tpu.core_type<sc_vector_subcore>, window_params = [{transform_indices = #map}, {transform_indices = #map1}, {transform_indices = #map1}, {transform_indices = #map1}]} {
    %mul3A = arith.constant 2 : i32
    %mul3A_0 = arith.muli %arg1, %mul3A : i32
    %add3A = arith.addi %mul3A_0, %arg0 : i32
    %mul3A_1 = arith.constant 128 : i32
    %mul3A_2 = arith.muli %add3A, %mul3A_1 : i32
    %add3A_3 = arith.constant 12288 : i32
    %add3A_4 = arith.addi %add3A_3, %mul3A_2 : i32
    "tpu.region"() ({
      %run_scoped3A = tpu.sem_alloc : memref<!tpu.dma_semaphore, #tpu.memory_space<semaphore_mem>>
      %dma_start3A_198 = tpu.memref_slice %arg3[%add3A_4] : memref<16384xi32, #tpu.memory_space<hbm>> -> memref<128xi32, #tpu.memory_space<hbm>>
      %dma_start3A_199 = tpu.memref_slice %arg3[%add3A_4] : memref<16384xi32, #tpu.memory_space<hbm>> -> memref<128xi32, #tpu.memory_space<hbm>>
      tpu.enqueue_dma source(%dma_start3A_199 : memref<128xi32, #tpu.memory_space<hbm>>) target(%arg8 : memref<128xi32, #tpu.memory_space<vmem>>) target_semaphore(%run_scoped3A : memref<!tpu.dma_semaphore, #tpu.memory_space<semaphore_mem>>)
      %dma_wait3A_200 = tpu.memref_slice %arg3[%add3A_4] : memref<16384xi32, #tpu.memory_space<hbm>> -> memref<128xi32, #tpu.memory_space<hbm>>
      %dma_wait3A_201 = tpu.memref_slice %arg3[%add3A_4] : memref<16384xi32, #tpu.memory_space<hbm>> -> memref<128xi32, #tpu.memory_space<hbm>>
      tpu.wait_dma2 semaphore(%run_scoped3A : memref<!tpu.dma_semaphore, #tpu.memory_space<semaphore_mem>>) src(%dma_wait3A_201 : memref<128xi32, #tpu.memory_space<hbm>>) dst(%arg8 : memref<128xi32, #tpu.memory_space<vmem>>)
      tpu.yield
    }) : () -> ()
    %iota3A = tpu.iota {dimensions = array<i32: 0>} : vector<16xi32>
    %mul3A_5 = arith.constant 1000 : i32
    %mul3A_6 = vector.broadcast %mul3A_5 : i32 to vector<16xi32>
    %mul3A_7 = arith.muli %iota3A, %mul3A_6 : vector<16xi32>
    %add3A_8 = arith.constant 0 : i32
    %add3A_9 = arith.addi %add3A_4, %add3A_8 : i32
    %dma_start3A = arith.constant 0 : i32
    %dma_start3A_10 = tpu.memref_slice %arg2[%add3A_9, %dma_start3A] : memref<16384x1000xf32, #tpu.memory_space<hbm>> -> memref<16x1000xf32, #tpu.memory_space<hbm>>
    %dma_start3A_11 = arith.constant 0 : i32
    %dma_start3A_12 = tpu.memref_slice %arg2[%add3A_9, %dma_start3A_11] : memref<16384x1000xf32, #tpu.memory_space<hbm>> -> memref<16x1000xf32, #tpu.memory_space<hbm>>
    tpu.enqueue_dma source(%dma_start3A_12 : memref<16x1000xf32, #tpu.memory_space<hbm>>) target(%arg6 : memref<16x1000xf32, #tpu.memory_space<vmem>>) target_semaphore(%arg11 : memref<!tpu.dma_semaphore, #tpu.memory_space<semaphore_mem>>)
    %add3A_13 = arith.constant 16 : i32
    %add3A_14 = arith.addi %add3A_4, %add3A_13 : i32
    %dma_start3A_15 = arith.constant 0 : i32
    %dma_start3A_16 = tpu.memref_slice %arg2[%add3A_14, %dma_start3A_15] : memref<16384x1000xf32, #tpu.memory_space<hbm>> -> memref<16x1000xf32, #tpu.memory_space<hbm>>
    %dma_start3A_17 = arith.constant 0 : i32
    %dma_start3A_18 = tpu.memref_slice %arg2[%add3A_14, %dma_start3A_17] : memref<16384x1000xf32, #tpu.memory_space<hbm>> -> memref<16x1000xf32, #tpu.memory_space<hbm>>
    tpu.enqueue_dma source(%dma_start3A_18 : memref<16x1000xf32, #tpu.memory_space<hbm>>) target(%arg7 : memref<16x1000xf32, #tpu.memory_space<vmem>>) target_semaphore(%arg12 : memref<!tpu.dma_semaphore, #tpu.memory_space<semaphore_mem>>)
    %dma_wait3A = arith.constant 0 : i32
    %dma_wait3A_19 = tpu.memref_slice %arg2[%add3A_9, %dma_wait3A] : memref<16384x1000xf32, #tpu.memory_space<hbm>> -> memref<16x1000xf32, #tpu.memory_space<hbm>>
    %dma_wait3A_20 = arith.constant 0 : i32
    %dma_wait3A_21 = tpu.memref_slice %arg2[%add3A_9, %dma_wait3A_20] : memref<16384x1000xf32, #tpu.memory_space<hbm>> -> memref<16x1000xf32, #tpu.memory_space<hbm>>
    tpu.wait_dma2 semaphore(%arg11 : memref<!tpu.dma_semaphore, #tpu.memory_space<semaphore_mem>>) src(%dma_wait3A_21 : memref<16x1000xf32, #tpu.memory_space<hbm>>) dst(%arg6 : memref<16x1000xf32, #tpu.memory_space<vmem>>)
    %get3A = arith.constant 0 : index
    %get3A_22 = tpu.vector_load %arg8[%get3A] {strides = array<i32>} : memref<128xi32, #tpu.memory_space<vmem>>, vector<16xi32>,
    %broadcast_in_dim3A = arith.constant 0.000000e+00 : f32
    %broadcast_in_dim3A_23 = vector.broadcast %broadcast_in_dim3A : f32 to vector<16xf32>
    %scan3A = arith.constant 0 : i32
    %scan3A_24 = arith.constant 16 : i32
    %scan3A_25 = arith.addi %scan3A, %scan3A_24 : i32
    %scan3A_26 = arith.constant 1 : i32
    %scan3A_27:2 = scf.for %scan3A_198 = %scan3A to %scan3A_25 step %scan3A_26 iter_args(%scan3A_199 = %broadcast_in_dim3A_23, %scan3A_200 = %broadcast_in_dim3A_23) -> (vector<16xf32>, vector<16xf32>)  : i32 {
      %eq3A = vector.broadcast %scan3A_198 : i32 to vector<16xi32>
      %eq3A_201 = arith.cmpi eq, %iota3A, %eq3A : vector<16xi32>
      %jit3A = arith.constant 0 : i32
      %broadcast_in_dim3A_202 = vector.broadcast %jit3A : i32 to vector<16xi32>
      %select_n3A = arith.select %eq3A_201, %get3A_22, %broadcast_in_dim3A_202 : vector<16xi1>, vector<16xi32>
      %broadcast_in_dim3A_203 = arith.constant true
      %broadcast_in_dim3A_204 = vector.broadcast %broadcast_in_dim3A_203 : i1 to vector<16xi1>
      %masked_cummax3A = arith.constant -2147483648 : i32
      %masked_cummax3A_205 = vector.broadcast %masked_cummax3A : i32 to vector<16xi32>
      %masked_cummax3A_206 = arith.xori %select_n3A, %masked_cummax3A_205 : vector<16xi32>
      %masked_cummax3A_207 = tpu.scan <max>, %masked_cummax3A_206 masked %broadcast_in_dim3A_204 : vector<16xi32>, vector<16xi1> -> vector<16xi32>
      %masked_cummax3A_208 = arith.xori %masked_cummax3A_207, %masked_cummax3A_205 : vector<16xi32>
      %rev3A = arith.constant 15 : i32
      %rev3A_209 = vector.broadcast %rev3A : i32 to vector<16xi32>
      %rev3A_210 = tpu.iota {dimensions = array<i32: 0>} : vector<16xi32>
      %rev3A_211 = arith.subi %rev3A_209, %rev3A_210 : vector<16xi32>
      %rev3A_212 = tpu.dynamic_gather %masked_cummax3A_208[%rev3A_211] in [0] : vector<16xi32>, vector<16xi32> -> vector<16xi32>
      %broadcast_in_dim3A_213 = arith.constant true
      %broadcast_in_dim3A_214 = vector.broadcast %broadcast_in_dim3A_213 : i1 to vector<16xi1>
      %masked_cummax3A_215 = arith.constant -2147483648 : i32
      %masked_cummax3A_216 = vector.broadcast %masked_cummax3A_215 : i32 to vector<16xi32>
      %masked_cummax3A_217 = arith.xori %rev3A_212, %masked_cummax3A_216 : vector<16xi32>
      %masked_cummax3A_218 = tpu.scan <max>, %masked_cummax3A_217 masked %broadcast_in_dim3A_214 : vector<16xi32>, vector<16xi1> -> vector<16xi32>
      %masked_cummax3A_219 = arith.xori %masked_cummax3A_218, %masked_cummax3A_216 : vector<16xi32>
      %scan3A_220 = arith.constant 0 : i32
      %scan3A_221 = arith.constant 62 : i32
      %scan3A_222 = arith.addi %scan3A_220, %scan3A_221 : i32
      %scan3A_223 = arith.constant 1 : i32
      %scan3A_224:4 = scf.for %scan3A_296 = %scan3A_220 to %scan3A_222 step %scan3A_223 iter_args(%scan3A_297 = %broadcast_in_dim3A_23, %scan3A_298 = %broadcast_in_dim3A_23, %scan3A_299 = %broadcast_in_dim3A_23, %scan3A_300 = %iota3A) -> (vector<16xf32>, vector<16xf32>, vector<16xf32>, vector<16xi32>)  : i32 {
        %mul3A_301 = arith.constant 16 : i32
        %mul3A_302 = arith.muli %scan3A_296, %mul3A_301 : i32
        %get3A_303 = arith.index_cast %scan3A_198 : i32 to index
        %get3A_304 = arith.index_cast %mul3A_302 : i32 to index
        %get3A_305 = tpu.vector_load %arg6[%get3A_303, %get3A_304] {strides = array<i32>} : memref<16x1000xf32, #tpu.memory_space<vmem>>, vector<16xf32>,
        %add3A_306 = arith.constant 8.000000e+00 : f32
        %add3A_307 = vector.broadcast %add3A_306 : f32 to vector<16xf32>
        %add3A_308 = arith.addf %get3A_305, %add3A_307 : vector<16xf32>
        %exp3A_309 = math.exp %get3A_305 : vector<16xf32>
        %add3A_310 = arith.addf %scan3A_297, %exp3A_309 : vector<16xf32>
        %add3A_311 = arith.addf %scan3A_298, %add3A_308 : vector<16xf32>
        %eq3A_312 = arith.cmpi eq, %scan3A_300, %masked_cummax3A_219 : vector<16xi32>
        %jit3A_313 = arith.constant 0.000000e+00 : f32
        %broadcast_in_dim3A_314 = vector.broadcast %jit3A_313 : f32 to vector<16xf32>
        %select_n3A_315 = arith.select %eq3A_312, %add3A_308, %broadcast_in_dim3A_314 : vector<16xi1>, vector<16xf32>
        %add3A_316 = arith.addf %scan3A_299, %select_n3A_315 : vector<16xf32>
        %add3A_317 = arith.constant 16 : i32
        %add3A_318 = vector.broadcast %add3A_317 : i32 to vector<16xi32>
        %add3A_319 = arith.addi %scan3A_300, %add3A_318 : vector<16xi32>
        scf.yield %add3A_310, %add3A_311, %add3A_316, %add3A_319 : vector<16xf32>, vector<16xf32>, vector<16xf32>, vector<16xi32>
      }
      %scan3A_225 = arith.constant 62 : i32
      %get3A_226 = arith.index_cast %scan3A_198 : i32 to index
      %get3A_227 = arith.constant 984 : index
      %get3A_228 = tpu.vector_load %arg6[%get3A_226, %get3A_227] {strides = array<i32>} : memref<16x1000xf32, #tpu.memory_space<vmem>>, vector<16xf32>,
      %add3A_229 = arith.constant 984 : i32
      %add3A_230 = vector.broadcast %add3A_229 : i32 to vector<16xi32>
      %add3A_231 = arith.addi %iota3A, %add3A_230 : vector<16xi32>
      %ge3A = arith.constant 992 : i32
      %ge3A_232 = vector.broadcast %ge3A : i32 to vector<16xi32>
      %ge3A_233 = arith.cmpi sge, %add3A_231, %ge3A_232 : vector<16xi32>
      %add3A_234 = arith.constant 8.000000e+00 : f32
      %add3A_235 = vector.broadcast %add3A_234 : f32 to vector<16xf32>
      %add3A_236 = arith.addf %get3A_228, %add3A_235 : vector<16xf32>
      %exp3A = math.exp %get3A_228 : vector<16xf32>
      %jit3A_237 = arith.constant 0.000000e+00 : f32
      %broadcast_in_dim3A_238 = vector.broadcast %jit3A_237 : f32 to vector<16xf32>
      %select_n3A_239 = arith.select %ge3A_233, %exp3A, %broadcast_in_dim3A_238 : vector<16xi1>, vector<16xf32>
      %add3A_240 = arith.addf %scan3A_224#0, %select_n3A_239 : vector<16xf32>
      %jit3A_241 = arith.constant 0.000000e+00 : f32
      %broadcast_in_dim3A_242 = vector.broadcast %jit3A_241 : f32 to vector<16xf32>
      %select_n3A_243 = arith.select %ge3A_233, %add3A_236, %broadcast_in_dim3A_242 : vector<16xi1>, vector<16xf32>
      %add3A_244 = arith.addf %scan3A_224#1, %select_n3A_243 : vector<16xf32>
      %eq3A_245 = arith.cmpi eq, %add3A_231, %masked_cummax3A_219 : vector<16xi32>
      %and3A = arith.andi %ge3A_233, %eq3A_245 : vector<16xi1>
      %jit3A_246 = arith.constant 0.000000e+00 : f32
      %broadcast_in_dim3A_247 = vector.broadcast %jit3A_246 : f32 to vector<16xf32>
      %select_n3A_248 = arith.select %and3A, %add3A_236, %broadcast_in_dim3A_247 : vector<16xi1>, vector<16xf32>
      %add3A_249 = arith.addf %scan3A_224#2, %select_n3A_248 : vector<16xf32>
      %broadcast_in_dim3A_250 = arith.constant true
      %broadcast_in_dim3A_251 = vector.broadcast %broadcast_in_dim3A_250 : i1 to vector<16xi1>
      %masked_cumsum3A = tpu.scan <sum>, %add3A_240 masked %broadcast_in_dim3A_251 : vector<16xf32>, vector<16xi1> -> vector<16xf32>
      %rev3A_252 = arith.constant 15 : i32
      %rev3A_253 = vector.broadcast %rev3A_252 : i32 to vector<16xi32>
      %rev3A_254 = tpu.iota {dimensions = array<i32: 0>} : vector<16xi32>
      %rev3A_255 = arith.subi %rev3A_253, %rev3A_254 : vector<16xi32>
      %rev3A_256 = tpu.dynamic_gather %masked_cumsum3A[%rev3A_255] in [0] : vector<16xf32>, vector<16xi32> -> vector<16xf32>
      %broadcast_in_dim3A_257 = arith.constant true
      %broadcast_in_dim3A_258 = vector.broadcast %broadcast_in_dim3A_257 : i1 to vector<16xi1>
      %masked_cummax3A_259 = tpu.scan <max>, %rev3A_256 masked %broadcast_in_dim3A_258 : vector<16xf32>, vector<16xi1> -> vector<16xf32>
      %broadcast_in_dim3A_260 = arith.constant true
      %broadcast_in_dim3A_261 = vector.broadcast %broadcast_in_dim3A_260 : i1 to vector<16xi1>
      %masked_cumsum3A_262 = tpu.scan <sum>, %add3A_244 masked %broadcast_in_dim3A_261 : vector<16xf32>, vector<16xi1> -> vector<16xf32>
      %rev3A_263 = arith.constant 15 : i32
      %rev3A_264 = vector.broadcast %rev3A_263 : i32 to vector<16xi32>
      %rev3A_265 = tpu.iota {dimensions = array<i32: 0>} : vector<16xi32>
      %rev3A_266 = arith.subi %rev3A_264, %rev3A_265 : vector<16xi32>
      %rev3A_267 = tpu.dynamic_gather %masked_cumsum3A_262[%rev3A_266] in [0] : vector<16xf32>, vector<16xi32> -> vector<16xf32>
      %broadcast_in_dim3A_268 = arith.constant true
      %broadcast_in_dim3A_269 = vector.broadcast %broadcast_in_dim3A_268 : i1 to vector<16xi1>
      %masked_cummax3A_270 = tpu.scan <max>, %rev3A_267 masked %broadcast_in_dim3A_269 : vector<16xf32>, vector<16xi1> -> vector<16xf32>
      %sub3A = arith.constant 8.000000e+03 : f32
      %sub3A_271 = vector.broadcast %sub3A : f32 to vector<16xf32>
      %sub3A_272 = arith.subf %masked_cummax3A_270, %sub3A_271 : vector<16xf32>
      %broadcast_in_dim3A_273 = arith.constant true
      %broadcast_in_dim3A_274 = vector.broadcast %broadcast_in_dim3A_273 : i1 to vector<16xi1>
      %masked_cumsum3A_275 = tpu.scan <sum>, %add3A_249 masked %broadcast_in_dim3A_274 : vector<16xf32>, vector<16xi1> -> vector<16xf32>
      %rev3A_276 = arith.constant 15 : i32
      %rev3A_277 = vector.broadcast %rev3A_276 : i32 to vector<16xi32>
      %rev3A_278 = tpu.iota {dimensions = array<i32: 0>} : vector<16xi32>
      %rev3A_279 = arith.subi %rev3A_277, %rev3A_278 : vector<16xi32>
      %rev3A_280 = tpu.dynamic_gather %masked_cumsum3A_275[%rev3A_279] in [0] : vector<16xf32>, vector<16xi32> -> vector<16xf32>
      %broadcast_in_dim3A_281 = arith.constant true
      %broadcast_in_dim3A_282 = vector.broadcast %broadcast_in_dim3A_281 : i1 to vector<16xi1>
      %masked_cummax3A_283 = tpu.scan <max>, %rev3A_280 masked %broadcast_in_dim3A_282 : vector<16xf32>, vector<16xi1> -> vector<16xf32>
      %sub3A_284 = arith.constant 8.000000e+00 : f32
      %sub3A_285 = vector.broadcast %sub3A_284 : f32 to vector<16xf32>
      %sub3A_286 = arith.subf %masked_cummax3A_283, %sub3A_285 : vector<16xf32>
      %select_n3A_287 = arith.select %eq3A_201, %masked_cummax3A_259, %scan3A_199 : vector<16xi1>, vector<16xf32>
      %mul3A_288 = arith.constant 1.001001E-4 : f32
      %mul3A_289 = vector.broadcast %mul3A_288 : f32 to vector<16xf32>
      %mul3A_290 = arith.mulf %mul3A_289, %sub3A_272 : vector<16xf32>
      %mul3A_291 = arith.constant 0.899899899 : f32
      %mul3A_292 = vector.broadcast %mul3A_291 : f32 to vector<16xf32>
      %mul3A_293 = arith.mulf %mul3A_292, %sub3A_286 : vector<16xf32>
      %add3A_294 = arith.addf %mul3A_290, %mul3A_293 : vector<16xf32>
      %select_n3A_295 = arith.select %eq3A_201, %add3A_294, %scan3A_200 : vector<16xi1>, vector<16xf32>
      scf.yield %select_n3A_287, %select_n3A_295 : vector<16xf32>, vector<16xf32>
    }
    %scan3A_28 = arith.constant 16 : i32
    %swap3A = arith.constant 0 : index
    %swap3A_29 = tpu.vector_load %arg9[%swap3A] {strides = array<i32>} : memref<128xf32, #tpu.memory_space<vmem>>, vector<16xf32>,
    tpu.vector_store %arg9[%swap3A], %scan3A_27#0 {strides = array<i32>} : memref<128xf32, #tpu.memory_space<vmem>>, vector<16xf32>,
    %swap3A_30 = arith.constant 0 : index
    %swap3A_31 = tpu.vector_load %arg10[%swap3A_30] {strides = array<i32>} : memref<128xf32, #tpu.memory_space<vmem>>, vector<16xf32>,
    tpu.vector_store %arg10[%swap3A_30], %scan3A_27#1 {strides = array<i32>} : memref<128xf32, #tpu.memory_space<vmem>>, vector<16xf32>,
    %add3A_32 = arith.constant 32 : i32
    %add3A_33 = arith.addi %add3A_4, %add3A_32 : i32
    %dma_start3A_34 = arith.constant 0 : i32
    %dma_start3A_35 = tpu.memref_slice %arg2[%add3A_33, %dma_start3A_34] : memref<16384x1000xf32, #tpu.memory_space<hbm>> -> memref<16x1000xf32, #tpu.memory_space<hbm>>
    %dma_start3A_36 = arith.constant 0 : i32
    %dma_start3A_37 = tpu.memref_slice %arg2[%add3A_33, %dma_start3A_36] : memref<16384x1000xf32, #tpu.memory_space<hbm>> -> memref<16x1000xf32, #tpu.memory_space<hbm>>
    tpu.enqueue_dma source(%dma_start3A_37 : memref<16x1000xf32, #tpu.memory_space<hbm>>) target(%arg6 : memref<16x1000xf32, #tpu.memory_space<vmem>>) target_semaphore(%arg11 : memref<!tpu.dma_semaphore, #tpu.memory_space<semaphore_mem>>)
    %dma_wait3A_38 = arith.constant 0 : i32
    %dma_wait3A_39 = tpu.memref_slice %arg2[%add3A_14, %dma_wait3A_38] : memref<16384x1000xf32, #tpu.memory_space<hbm>> -> memref<16x1000xf32, #tpu.memory_space<hbm>>
    %dma_wait3A_40 = arith.constant 0 : i32
    %dma_wait3A_41 = tpu.memref_slice %arg2[%add3A_14, %dma_wait3A_40] : memref<16384x1000xf32, #tpu.memory_space<hbm>> -> memref<16x1000xf32, #tpu.memory_space<hbm>>
    tpu.wait_dma2 semaphore(%arg12 : memref<!tpu.dma_semaphore, #tpu.memory_space<semaphore_mem>>) src(%dma_wait3A_41 : memref<16x1000xf32, #tpu.memory_space<hbm>>) dst(%arg7 : memref<16x1000xf32, #tpu.memory_space<vmem>>)
    %get3A_42 = arith.constant 16 : index
    %get3A_43 = tpu.vector_load %arg8[%get3A_42] {strides = array<i32>} : memref<128xi32, #tpu.memory_space<vmem>>, vector<16xi32>,
    %broadcast_in_dim3A_44 = arith.constant 0.000000e+00 : f32
    %broadcast_in_dim3A_45 = vector.broadcast %broadcast_in_dim3A_44 : f32 to vector<16xf32>
    %scan3A_46 = arith.constant 0 : i32
    %scan3A_47 = arith.constant 16 : i32
    %scan3A_48 = arith.addi %scan3A_46, %scan3A_47 : i32
    %scan3A_49 = arith.constant 1 : i32
    %scan3A_50:2 = scf.for %scan3A_198 = %scan3A_46 to %scan3A_48 step %scan3A_49 iter_args(%scan3A_199 = %broadcast_in_dim3A_45, %scan3A_200 = %broadcast_in_dim3A_45) -> (vector<16xf32>, vector<16xf32>)  : i32 {
      %eq3A = vector.broadcast %scan3A_198 : i32 to vector<16xi32>
      %eq3A_201 = arith.cmpi eq, %iota3A, %eq3A : vector<16xi32>
      %jit3A = arith.constant 0 : i32
      %broadcast_in_dim3A_202 = vector.broadcast %jit3A : i32 to vector<16xi32>
      %select_n3A = arith.select %eq3A_201, %get3A_43, %broadcast_in_dim3A_202 : vector<16xi1>, vector<16xi32>
      %broadcast_in_dim3A_203 = arith.constant true
      %broadcast_in_dim3A_204 = vector.broadcast %broadcast_in_dim3A_203 : i1 to vector<16xi1>
      %masked_cummax3A = arith.constant -2147483648 : i32
      %masked_cummax3A_205 = vector.broadcast %masked_cummax3A : i32 to vector<16xi32>
      %masked_cummax3A_206 = arith.xori %select_n3A, %masked_cummax3A_205 : vector<16xi32>
      %masked_cummax3A_207 = tpu.scan <max>, %masked_cummax3A_206 masked %broadcast_in_dim3A_204 : vector<16xi32>, vector<16xi1> -> vector<16xi32>
      %masked_cummax3A_208 = arith.xori %masked_cummax3A_207, %masked_cummax3A_205 : vector<16xi32>
      %rev3A = arith.constant 15 : i32
      %rev3A_209 = vector.broadcast %rev3A : i32 to vector<16xi32>
      %rev3A_210 = tpu.iota {dimensions = array<i32: 0>} : vector<16xi32>
      %rev3A_211 = arith.subi %rev3A_209, %rev3A_210 : vector<16xi32>
      %rev3A_212 = tpu.dynamic_gather %masked_cummax3A_208[%rev3A_211] in [0] : vector<16xi32>, vector<16xi32> -> vector<16xi32>
      %broadcast_in_dim3A_213 = arith.constant true
      %broadcast_in_dim3A_214 = vector.broadcast %broadcast_in_dim3A_213 : i1 to vector<16xi1>
      %masked_cummax3A_215 = arith.constant -2147483648 : i32
      %masked_cummax3A_216 = vector.broadcast %masked_cummax3A_215 : i32 to vector<16xi32>
      %masked_cummax3A_217 = arith.xori %rev3A_212, %masked_cummax3A_216 : vector<16xi32>
      %masked_cummax3A_218 = tpu.scan <max>, %masked_cummax3A_217 masked %broadcast_in_dim3A_214 : vector<16xi32>, vector<16xi1> -> vector<16xi32>
      %masked_cummax3A_219 = arith.xori %masked_cummax3A_218, %masked_cummax3A_216 : vector<16xi32>
      %scan3A_220 = arith.constant 0 : i32
      %scan3A_221 = arith.constant 62 : i32
      %scan3A_222 = arith.addi %scan3A_220, %scan3A_221 : i32
      %scan3A_223 = arith.constant 1 : i32
      %scan3A_224:4 = scf.for %scan3A_296 = %scan3A_220 to %scan3A_222 step %scan3A_223 iter_args(%scan3A_297 = %broadcast_in_dim3A_45, %scan3A_298 = %broadcast_in_dim3A_45, %scan3A_299 = %broadcast_in_dim3A_45, %scan3A_300 = %iota3A) -> (vector<16xf32>, vector<16xf32>, vector<16xf32>, vector<16xi32>)  : i32 {
        %mul3A_301 = arith.constant 16 : i32
        %mul3A_302 = arith.muli %scan3A_296, %mul3A_301 : i32
        %get3A_303 = arith.index_cast %scan3A_198 : i32 to index
        %get3A_304 = arith.index_cast %mul3A_302 : i32 to index
        %get3A_305 = tpu.vector_load %arg7[%get3A_303, %get3A_304] {strides = array<i32>} : memref<16x1000xf32, #tpu.memory_space<vmem>>, vector<16xf32>,
        %add3A_306 = arith.constant 8.000000e+00 : f32
        %add3A_307 = vector.broadcast %add3A_306 : f32 to vector<16xf32>
        %add3A_308 = arith.addf %get3A_305, %add3A_307 : vector<16xf32>
        %exp3A_309 = math.exp %get3A_305 : vector<16xf32>
        %add3A_310 = arith.addf %scan3A_297, %exp3A_309 : vector<16xf32>
        %add3A_311 = arith.addf %scan3A_298, %add3A_308 : vector<16xf32>
        %eq3A_312 = arith.cmpi eq, %scan3A_300, %masked_cummax3A_219 : vector<16xi32>
        %jit3A_313 = arith.constant 0.000000e+00 : f32
        %broadcast_in_dim3A_314 = vector.broadcast %jit3A_313 : f32 to vector<16xf32>
        %select_n3A_315 = arith.select %eq3A_312, %add3A_308, %broadcast_in_dim3A_314 : vector<16xi1>, vector<16xf32>
        %add3A_316 = arith.addf %scan3A_299, %select_n3A_315 : vector<16xf32>
        %add3A_317 = arith.constant 16 : i32
        %add3A_318 = vector.broadcast %add3A_317 : i32 to vector<16xi32>
        %add3A_319 = arith.addi %scan3A_300, %add3A_318 : vector<16xi32>
        scf.yield %add3A_310, %add3A_311, %add3A_316, %add3A_319 : vector<16xf32>, vector<16xf32>, vector<16xf32>, vector<16xi32>
      }
      %scan3A_225 = arith.constant 62 : i32
      %get3A_226 = arith.index_cast %scan3A_198 : i32 to index
      %get3A_227 = arith.constant 984 : index
      %get3A_228 = tpu.vector_load %arg7[%get3A_226, %get3A_227] {strides = array<i32>} : memref<16x1000xf32, #tpu.memory_space<vmem>>, vector<16xf32>,
      %add3A_229 = arith.constant 984 : i32
      %add3A_230 = vector.broadcast %add3A_229 : i32 to vector<16xi32>
      %add3A_231 = arith.addi %iota3A, %add3A_230 : vector<16xi32>
      %ge3A = arith.constant 992 : i32
      %ge3A_232 = vector.broadcast %ge3A : i32 to vector<16xi32>
      %ge3A_233 = arith.cmpi sge, %add3A_231, %ge3A_232 : vector<16xi32>
      %add3A_234 = arith.constant 8.000000e+00 : f32
      %add3A_235 = vector.broadcast %add3A_234 : f32 to vector<16xf32>
      %add3A_236 = arith.addf %get3A_228, %add3A_235 : vector<16xf32>
      %exp3A = math.exp %get3A_228 : vector<16xf32>
      %jit3A_237 = arith.constant 0.000000e+00 : f32
      %broadcast_in_dim3A_238 = vector.broadcast %jit3A_237 : f32 to vector<16xf32>
      %select_n3A_239 = arith.select %ge3A_233, %exp3A, %broadcast_in_dim3A_238 : vector<16xi1>, vector<16xf32>
      %add3A_240 = arith.addf %scan3A_224#0, %select_n3A_239 : vector<16xf32>
      %jit3A_241 = arith.constant 0.000000e+00 : f32
      %broadcast_in_dim3A_242 = vector.broadcast %jit3A_241 : f32 to vector<16xf32>
      %select_n3A_243 = arith.select %ge3A_233, %add3A_236, %broadcast_in_dim3A_242 : vector<16xi1>, vector<16xf32>
      %add3A_244 = arith.addf %scan3A_224#1, %select_n3A_243 : vector<16xf32>
      %eq3A_245 = arith.cmpi eq, %add3A_231, %masked_cummax3A_219 : vector<16xi32>
      %and3A = arith.andi %ge3A_233, %eq3A_245 : vector<16xi1>
      %jit3A_246 = arith.constant 0.000000e+00 : f32
      %broadcast_in_dim3A_247 = vector.broadcast %jit3A_246 : f32 to vector<16xf32>
      %select_n3A_248 = arith.select %and3A, %add3A_236, %broadcast_in_dim3A_247 : vector<16xi1>, vector<16xf32>
      %add3A_249 = arith.addf %scan3A_224#2, %select_n3A_248 : vector<16xf32>
      %broadcast_in_dim3A_250 = arith.constant true
      %broadcast_in_dim3A_251 = vector.broadcast %broadcast_in_dim3A_250 : i1 to vector<16xi1>
      %masked_cumsum3A = tpu.scan <sum>, %add3A_240 masked %broadcast_in_dim3A_251 : vector<16xf32>, vector<16xi1> -> vector<16xf32>
      %rev3A_252 = arith.constant 15 : i32
      %rev3A_253 = vector.broadcast %rev3A_252 : i32 to vector<16xi32>
      %rev3A_254 = tpu.iota {dimensions = array<i32: 0>} : vector<16xi32>
      %rev3A_255 = arith.subi %rev3A_253, %rev3A_254 : vector<16xi32>
      %rev3A_256 = tpu.dynamic_gather %masked_cumsum3A[%rev3A_255] in [0] : vector<16xf32>, vector<16xi32> -> vector<16xf32>
      %broadcast_in_dim3A_257 = arith.constant true
      %broadcast_in_dim3A_258 = vector.broadcast %broadcast_in_dim3A_257 : i1 to vector<16xi1>
      %masked_cummax3A_259 = tpu.scan <max>, %rev3A_256 masked %broadcast_in_dim3A_258 : vector<16xf32>, vector<16xi1> -> vector<16xf32>
      %broadcast_in_dim3A_260 = arith.constant true
      %broadcast_in_dim3A_261 = vector.broadcast %broadcast_in_dim3A_260 : i1 to vector<16xi1>
      %masked_cumsum3A_262 = tpu.scan <sum>, %add3A_244 masked %broadcast_in_dim3A_261 : vector<16xf32>, vector<16xi1> -> vector<16xf32>
      %rev3A_263 = arith.constant 15 : i32
      %rev3A_264 = vector.broadcast %rev3A_263 : i32 to vector<16xi32>
      %rev3A_265 = tpu.iota {dimensions = array<i32: 0>} : vector<16xi32>
      %rev3A_266 = arith.subi %rev3A_264, %rev3A_265 : vector<16xi32>
      %rev3A_267 = tpu.dynamic_gather %masked_cumsum3A_262[%rev3A_266] in [0] : vector<16xf32>, vector<16xi32> -> vector<16xf32>
      %broadcast_in_dim3A_268 = arith.constant true
      %broadcast_in_dim3A_269 = vector.broadcast %broadcast_in_dim3A_268 : i1 to vector<16xi1>
      %masked_cummax3A_270 = tpu.scan <max>, %rev3A_267 masked %broadcast_in_dim3A_269 : vector<16xf32>, vector<16xi1> -> vector<16xf32>
      %sub3A = arith.constant 8.000000e+03 : f32
      %sub3A_271 = vector.broadcast %sub3A : f32 to vector<16xf32>
      %sub3A_272 = arith.subf %masked_cummax3A_270, %sub3A_271 : vector<16xf32>
      %broadcast_in_dim3A_273 = arith.constant true
      %broadcast_in_dim3A_274 = vector.broadcast %broadcast_in_dim3A_273 : i1 to vector<16xi1>
      %masked_cumsum3A_275 = tpu.scan <sum>, %add3A_249 masked %broadcast_in_dim3A_274 : vector<16xf32>, vector<16xi1> -> vector<16xf32>
      %rev3A_276 = arith.constant 15 : i32
      %rev3A_277 = vector.broadcast %rev3A_276 : i32 to vector<16xi32>
      %rev3A_278 = tpu.iota {dimensions = array<i32: 0>} : vector<16xi32>
      %rev3A_279 = arith.subi %rev3A_277, %rev3A_278 : vector<16xi32>
      %rev3A_280 = tpu.dynamic_gather %masked_cumsum3A_275[%rev3A_279] in [0] : vector<16xf32>, vector<16xi32> -> vector<16xf32>
      %broadcast_in_dim3A_281 = arith.constant true
      %broadcast_in_dim3A_282 = vector.broadcast %broadcast_in_dim3A_281 : i1 to vector<16xi1>
      %masked_cummax3A_283 = tpu.scan <max>, %rev3A_280 masked %broadcast_in_dim3A_282 : vector<16xf32>, vector<16xi1> -> vector<16xf32>
      %sub3A_284 = arith.constant 8.000000e+00 : f32
      %sub3A_285 = vector.broadcast %sub3A_284 : f32 to vector<16xf32>
      %sub3A_286 = arith.subf %masked_cummax3A_283, %sub3A_285 : vector<16xf32>
      %select_n3A_287 = arith.select %eq3A_201, %masked_cummax3A_259, %scan3A_199 : vector<16xi1>, vector<16xf32>
      %mul3A_288 = arith.constant 1.001001E-4 : f32
      %mul3A_289 = vector.broadcast %mul3A_288 : f32 to vector<16xf32>
      %mul3A_290 = arith.mulf %mul3A_289, %sub3A_272 : vector<16xf32>
      %mul3A_291 = arith.constant 0.899899899 : f32
      %mul3A_292 = vector.broadcast %mul3A_291 : f32 to vector<16xf32>
      %mul3A_293 = arith.mulf %mul3A_292, %sub3A_286 : vector<16xf32>
      %add3A_294 = arith.addf %mul3A_290, %mul3A_293 : vector<16xf32>
      %select_n3A_295 = arith.select %eq3A_201, %add3A_294, %scan3A_200 : vector<16xi1>, vector<16xf32>
      scf.yield %select_n3A_287, %select_n3A_295 : vector<16xf32>, vector<16xf32>
    }
    %scan3A_51 = arith.constant 16 : i32
    %swap3A_52 = arith.constant 16 : index
    %swap3A_53 = tpu.vector_load %arg9[%swap3A_52] {strides = array<i32>} : memref<128xf32, #tpu.memory_space<vmem>>, vector<16xf32>,
    tpu.vector_store %arg9[%swap3A_52], %scan3A_50#0 {strides = array<i32>} : memref<128xf32, #tpu.memory_space<vmem>>, vector<16xf32>,
    %swap3A_54 = arith.constant 16 : index
    %swap3A_55 = tpu.vector_load %arg10[%swap3A_54] {strides = array<i32>} : memref<128xf32, #tpu.memory_space<vmem>>, vector<16xf32>,
    tpu.vector_store %arg10[%swap3A_54], %scan3A_50#1 {strides = array<i32>} : memref<128xf32, #tpu.memory_space<vmem>>, vector<16xf32>,
    %add3A_56 = arith.constant 48 : i32
    %add3A_57 = arith.addi %add3A_4, %add3A_56 : i32
    %dma_start3A_58 = arith.constant 0 : i32
    %dma_start3A_59 = tpu.memref_slice %arg2[%add3A_57, %dma_start3A_58] : memref<16384x1000xf32, #tpu.memory_space<hbm>> -> memref<16x1000xf32, #tpu.memory_space<hbm>>
    %dma_start3A_60 = arith.constant 0 : i32
    %dma_start3A_61 = tpu.memref_slice %arg2[%add3A_57, %dma_start3A_60] : memref<16384x1000xf32, #tpu.memory_space<hbm>> -> memref<16x1000xf32, #tpu.memory_space<hbm>>
    tpu.enqueue_dma source(%dma_start3A_61 : memref<16x1000xf32, #tpu.memory_space<hbm>>) target(%arg7 : memref<16x1000xf32, #tpu.memory_space<vmem>>) target_semaphore(%arg12 : memref<!tpu.dma_semaphore, #tpu.memory_space<semaphore_mem>>)
    %dma_wait3A_62 = arith.constant 0 : i32
    %dma_wait3A_63 = tpu.memref_slice %arg2[%add3A_33, %dma_wait3A_62] : memref<16384x1000xf32, #tpu.memory_space<hbm>> -> memref<16x1000xf32, #tpu.memory_space<hbm>>
    %dma_wait3A_64 = arith.constant 0 : i32
    %dma_wait3A_65 = tpu.memref_slice %arg2[%add3A_33, %dma_wait3A_64] : memref<16384x1000xf32, #tpu.memory_space<hbm>> -> memref<16x1000xf32, #tpu.memory_space<hbm>>
    tpu.wait_dma2 semaphore(%arg11 : memref<!tpu.dma_semaphore, #tpu.memory_space<semaphore_mem>>) src(%dma_wait3A_65 : memref<16x1000xf32, #tpu.memory_space<hbm>>) dst(%arg6 : memref<16x1000xf32, #tpu.memory_space<vmem>>)
    %get3A_66 = arith.constant 32 : index
    %get3A_67 = tpu.vector_load %arg8[%get3A_66] {strides = array<i32>} : memref<128xi32, #tpu.memory_space<vmem>>, vector<16xi32>,
    %broadcast_in_dim3A_68 = arith.constant 0.000000e+00 : f32
    %broadcast_in_dim3A_69 = vector.broadcast %broadcast_in_dim3A_68 : f32 to vector<16xf32>
    %scan3A_70 = arith.constant 0 : i32
    %scan3A_71 = arith.constant 16 : i32
    %scan3A_72 = arith.addi %scan3A_70, %scan3A_71 : i32
    %scan3A_73 = arith.constant 1 : i32
    %scan3A_74:2 = scf.for %scan3A_198 = %scan3A_70 to %scan3A_72 step %scan3A_73 iter_args(%scan3A_199 = %broadcast_in_dim3A_69, %scan3A_200 = %broadcast_in_dim3A_69) -> (vector<16xf32>, vector<16xf32>)  : i32 {
      %eq3A = vector.broadcast %scan3A_198 : i32 to vector<16xi32>
      %eq3A_201 = arith.cmpi eq, %iota3A, %eq3A : vector<16xi32>
      %jit3A = arith.constant 0 : i32
      %broadcast_in_dim3A_202 = vector.broadcast %jit3A : i32 to vector<16xi32>
      %select_n3A = arith.select %eq3A_201, %get3A_67, %broadcast_in_dim3A_202 : vector<16xi1>, vector<16xi32>
      %broadcast_in_dim3A_203 = arith.constant true
      %broadcast_in_dim3A_204 = vector.broadcast %broadcast_in_dim3A_203 : i1 to vector<16xi1>
      %masked_cummax3A = arith.constant -2147483648 : i32
      %masked_cummax3A_205 = vector.broadcast %masked_cummax3A : i32 to vector<16xi32>
      %masked_cummax3A_206 = arith.xori %select_n3A, %masked_cummax3A_205 : vector<16xi32>
      %masked_cummax3A_207 = tpu.scan <max>, %masked_cummax3A_206 masked %broadcast_in_dim3A_204 : vector<16xi32>, vector<16xi1> -> vector<16xi32>
      %masked_cummax3A_208 = arith.xori %masked_cummax3A_207, %masked_cummax3A_205 : vector<16xi32>
      %rev3A = arith.constant 15 : i32
      %rev3A_209 = vector.broadcast %rev3A : i32 to vector<16xi32>
      %rev3A_210 = tpu.iota {dimensions = array<i32: 0>} : vector<16xi32>
      %rev3A_211 = arith.subi %rev3A_209, %rev3A_210 : vector<16xi32>
      %rev3A_212 = tpu.dynamic_gather %masked_cummax3A_208[%rev3A_211] in [0] : vector<16xi32>, vector<16xi32> -> vector<16xi32>
      %broadcast_in_dim3A_213 = arith.constant true
      %broadcast_in_dim3A_214 = vector.broadcast %broadcast_in_dim3A_213 : i1 to vector<16xi1>
      %masked_cummax3A_215 = arith.constant -2147483648 : i32
      %masked_cummax3A_216 = vector.broadcast %masked_cummax3A_215 : i32 to vector<16xi32>
      %masked_cummax3A_217 = arith.xori %rev3A_212, %masked_cummax3A_216 : vector<16xi32>
      %masked_cummax3A_218 = tpu.scan <max>, %masked_cummax3A_217 masked %broadcast_in_dim3A_214 : vector<16xi32>, vector<16xi1> -> vector<16xi32>
      %masked_cummax3A_219 = arith.xori %masked_cummax3A_218, %masked_cummax3A_216 : vector<16xi32>
      %scan3A_220 = arith.constant 0 : i32
      %scan3A_221 = arith.constant 62 : i32
      %scan3A_222 = arith.addi %scan3A_220, %scan3A_221 : i32
      %scan3A_223 = arith.constant 1 : i32
      %scan3A_224:4 = scf.for %scan3A_296 = %scan3A_220 to %scan3A_222 step %scan3A_223 iter_args(%scan3A_297 = %broadcast_in_dim3A_69, %scan3A_298 = %broadcast_in_dim3A_69, %scan3A_299 = %broadcast_in_dim3A_69, %scan3A_300 = %iota3A) -> (vector<16xf32>, vector<16xf32>, vector<16xf32>, vector<16xi32>)  : i32 {
        %mul3A_301 = arith.constant 16 : i32
        %mul3A_302 = arith.muli %scan3A_296, %mul3A_301 : i32
        %get3A_303 = arith.index_cast %scan3A_198 : i32 to index
        %get3A_304 = arith.index_cast %mul3A_302 : i32 to index
        %get3A_305 = tpu.vector_load %arg6[%get3A_303, %get3A_304] {strides = array<i32>} : memref<16x1000xf32, #tpu.memory_space<vmem>>, vector<16xf32>,
        %add3A_306 = arith.constant 8.000000e+00 : f32
        %add3A_307 = vector.broadcast %add3A_306 : f32 to vector<16xf32>
        %add3A_308 = arith.addf %get3A_305, %add3A_307 : vector<16xf32>
        %exp3A_309 = math.exp %get3A_305 : vector<16xf32>
        %add3A_310 = arith.addf %scan3A_297, %exp3A_309 : vector<16xf32>
        %add3A_311 = arith.addf %scan3A_298, %add3A_308 : vector<16xf32>
        %eq3A_312 = arith.cmpi eq, %scan3A_300, %masked_cummax3A_219 : vector<16xi32>
        %jit3A_313 = arith.constant 0.000000e+00 : f32
        %broadcast_in_dim3A_314 = vector.broadcast %jit3A_313 : f32 to vector<16xf32>
        %select_n3A_315 = arith.select %eq3A_312, %add3A_308, %broadcast_in_dim3A_314 : vector<16xi1>, vector<16xf32>
        %add3A_316 = arith.addf %scan3A_299, %select_n3A_315 : vector<16xf32>
        %add3A_317 = arith.constant 16 : i32
        %add3A_318 = vector.broadcast %add3A_317 : i32 to vector<16xi32>
        %add3A_319 = arith.addi %scan3A_300, %add3A_318 : vector<16xi32>
        scf.yield %add3A_310, %add3A_311, %add3A_316, %add3A_319 : vector<16xf32>, vector<16xf32>, vector<16xf32>, vector<16xi32>
      }
      %scan3A_225 = arith.constant 62 : i32
      %get3A_226 = arith.index_cast %scan3A_198 : i32 to index
      %get3A_227 = arith.constant 984 : index
      %get3A_228 = tpu.vector_load %arg6[%get3A_226, %get3A_227] {strides = array<i32>} : memref<16x1000xf32, #tpu.memory_space<vmem>>, vector<16xf32>,
      %add3A_229 = arith.constant 984 : i32
      %add3A_230 = vector.broadcast %add3A_229 : i32 to vector<16xi32>
      %add3A_231 = arith.addi %iota3A, %add3A_230 : vector<16xi32>
      %ge3A = arith.constant 992 : i32
      %ge3A_232 = vector.broadcast %ge3A : i32 to vector<16xi32>
      %ge3A_233 = arith.cmpi sge, %add3A_231, %ge3A_232 : vector<16xi32>
      %add3A_234 = arith.constant 8.000000e+00 : f32
      %add3A_235 = vector.broadcast %add3A_234 : f32 to vector<16xf32>
      %add3A_236 = arith.addf %get3A_228, %add3A_235 : vector<16xf32>
      %exp3A = math.exp %get3A_228 : vector<16xf32>
      %jit3A_237 = arith.constant 0.000000e+00 : f32
      %broadcast_in_dim3A_238 = vector.broadcast %jit3A_237 : f32 to vector<16xf32>
      %select_n3A_239 = arith.select %ge3A_233, %exp3A, %broadcast_in_dim3A_238 : vector<16xi1>, vector<16xf32>
      %add3A_240 = arith.addf %scan3A_224#0, %select_n3A_239 : vector<16xf32>
      %jit3A_241 = arith.constant 0.000000e+00 : f32
      %broadcast_in_dim3A_242 = vector.broadcast %jit3A_241 : f32 to vector<16xf32>
      %select_n3A_243 = arith.select %ge3A_233, %add3A_236, %broadcast_in_dim3A_242 : vector<16xi1>, vector<16xf32>
      %add3A_244 = arith.addf %scan3A_224#1, %select_n3A_243 : vector<16xf32>
      %eq3A_245 = arith.cmpi eq, %add3A_231, %masked_cummax3A_219 : vector<16xi32>
      %and3A = arith.andi %ge3A_233, %eq3A_245 : vector<16xi1>
      %jit3A_246 = arith.constant 0.000000e+00 : f32
      %broadcast_in_dim3A_247 = vector.broadcast %jit3A_246 : f32 to vector<16xf32>
      %select_n3A_248 = arith.select %and3A, %add3A_236, %broadcast_in_dim3A_247 : vector<16xi1>, vector<16xf32>
      %add3A_249 = arith.addf %scan3A_224#2, %select_n3A_248 : vector<16xf32>
      %broadcast_in_dim3A_250 = arith.constant true
      %broadcast_in_dim3A_251 = vector.broadcast %broadcast_in_dim3A_250 : i1 to vector<16xi1>
      %masked_cumsum3A = tpu.scan <sum>, %add3A_240 masked %broadcast_in_dim3A_251 : vector<16xf32>, vector<16xi1> -> vector<16xf32>
      %rev3A_252 = arith.constant 15 : i32
      %rev3A_253 = vector.broadcast %rev3A_252 : i32 to vector<16xi32>
      %rev3A_254 = tpu.iota {dimensions = array<i32: 0>} : vector<16xi32>
      %rev3A_255 = arith.subi %rev3A_253, %rev3A_254 : vector<16xi32>
      %rev3A_256 = tpu.dynamic_gather %masked_cumsum3A[%rev3A_255] in [0] : vector<16xf32>, vector<16xi32> -> vector<16xf32>
      %broadcast_in_dim3A_257 = arith.constant true
      %broadcast_in_dim3A_258 = vector.broadcast %broadcast_in_dim3A_257 : i1 to vector<16xi1>
      %masked_cummax3A_259 = tpu.scan <max>, %rev3A_256 masked %broadcast_in_dim3A_258 : vector<16xf32>, vector<16xi1> -> vector<16xf32>
      %broadcast_in_dim3A_260 = arith.constant true
      %broadcast_in_dim3A_261 = vector.broadcast %broadcast_in_dim3A_260 : i1 to vector<16xi1>
      %masked_cumsum3A_262 = tpu.scan <sum>, %add3A_244 masked %broadcast_in_dim3A_261 : vector<16xf32>, vector<16xi1> -> vector<16xf32>
      %rev3A_263 = arith.constant 15 : i32
      %rev3A_264 = vector.broadcast %rev3A_263 : i32 to vector<16xi32>
      %rev3A_265 = tpu.iota {dimensions = array<i32: 0>} : vector<16xi32>
      %rev3A_266 = arith.subi %rev3A_264, %rev3A_265 : vector<16xi32>
      %rev3A_267 = tpu.dynamic_gather %masked_cumsum3A_262[%rev3A_266] in [0] : vector<16xf32>, vector<16xi32> -> vector<16xf32>
      %broadcast_in_dim3A_268 = arith.constant true
      %broadcast_in_dim3A_269 = vector.broadcast %broadcast_in_dim3A_268 : i1 to vector<16xi1>
      %masked_cummax3A_270 = tpu.scan <max>, %rev3A_267 masked %broadcast_in_dim3A_269 : vector<16xf32>, vector<16xi1> -> vector<16xf32>
      %sub3A = arith.constant 8.000000e+03 : f32
      %sub3A_271 = vector.broadcast %sub3A : f32 to vector<16xf32>
      %sub3A_272 = arith.subf %masked_cummax3A_270, %sub3A_271 : vector<16xf32>
      %broadcast_in_dim3A_273 = arith.constant true
      %broadcast_in_dim3A_274 = vector.broadcast %broadcast_in_dim3A_273 : i1 to vector<16xi1>
      %masked_cumsum3A_275 = tpu.scan <sum>, %add3A_249 masked %broadcast_in_dim3A_274 : vector<16xf32>, vector<16xi1> -> vector<16xf32>
      %rev3A_276 = arith.constant 15 : i32
      %rev3A_277 = vector.broadcast %rev3A_276 : i32 to vector<16xi32>
      %rev3A_278 = tpu.iota {dimensions = array<i32: 0>} : vector<16xi32>
      %rev3A_279 = arith.subi %rev3A_277, %rev3A_278 : vector<16xi32>
      %rev3A_280 = tpu.dynamic_gather %masked_cumsum3A_275[%rev3A_279] in [0] : vector<16xf32>, vector<16xi32> -> vector<16xf32>
      %broadcast_in_dim3A_281 = arith.constant true
      %broadcast_in_dim3A_282 = vector.broadcast %broadcast_in_dim3A_281 : i1 to vector<16xi1>
      %masked_cummax3A_283 = tpu.scan <max>, %rev3A_280 masked %broadcast_in_dim3A_282 : vector<16xf32>, vector<16xi1> -> vector<16xf32>
      %sub3A_284 = arith.constant 8.000000e+00 : f32
      %sub3A_285 = vector.broadcast %sub3A_284 : f32 to vector<16xf32>
      %sub3A_286 = arith.subf %masked_cummax3A_283, %sub3A_285 : vector<16xf32>
      %select_n3A_287 = arith.select %eq3A_201, %masked_cummax3A_259, %scan3A_199 : vector<16xi1>, vector<16xf32>
      %mul3A_288 = arith.constant 1.001001E-4 : f32
      %mul3A_289 = vector.broadcast %mul3A_288 : f32 to vector<16xf32>
      %mul3A_290 = arith.mulf %mul3A_289, %sub3A_272 : vector<16xf32>
      %mul3A_291 = arith.constant 0.899899899 : f32
      %mul3A_292 = vector.broadcast %mul3A_291 : f32 to vector<16xf32>
      %mul3A_293 = arith.mulf %mul3A_292, %sub3A_286 : vector<16xf32>
      %add3A_294 = arith.addf %mul3A_290, %mul3A_293 : vector<16xf32>
      %select_n3A_295 = arith.select %eq3A_201, %add3A_294, %scan3A_200 : vector<16xi1>, vector<16xf32>
      scf.yield %select_n3A_287, %select_n3A_295 : vector<16xf32>, vector<16xf32>
    }
    %scan3A_75 = arith.constant 16 : i32
    %swap3A_76 = arith.constant 32 : index
    %swap3A_77 = tpu.vector_load %arg9[%swap3A_76] {strides = array<i32>} : memref<128xf32, #tpu.memory_space<vmem>>, vector<16xf32>,
    tpu.vector_store %arg9[%swap3A_76], %scan3A_74#0 {strides = array<i32>} : memref<128xf32, #tpu.memory_space<vmem>>, vector<16xf32>,
    %swap3A_78 = arith.constant 32 : index
    %swap3A_79 = tpu.vector_load %arg10[%swap3A_78] {strides = array<i32>} : memref<128xf32, #tpu.memory_space<vmem>>, vector<16xf32>,
    tpu.vector_store %arg10[%swap3A_78], %scan3A_74#1 {strides = array<i32>} : memref<128xf32, #tpu.memory_space<vmem>>, vector<16xf32>,
    %add3A_80 = arith.constant 64 : i32
    %add3A_81 = arith.addi %add3A_4, %add3A_80 : i32
    %dma_start3A_82 = arith.constant 0 : i32
    %dma_start3A_83 = tpu.memref_slice %arg2[%add3A_81, %dma_start3A_82] : memref<16384x1000xf32, #tpu.memory_space<hbm>> -> memref<16x1000xf32, #tpu.memory_space<hbm>>
    %dma_start3A_84 = arith.constant 0 : i32
    %dma_start3A_85 = tpu.memref_slice %arg2[%add3A_81, %dma_start3A_84] : memref<16384x1000xf32, #tpu.memory_space<hbm>> -> memref<16x1000xf32, #tpu.memory_space<hbm>>
    tpu.enqueue_dma source(%dma_start3A_85 : memref<16x1000xf32, #tpu.memory_space<hbm>>) target(%arg6 : memref<16x1000xf32, #tpu.memory_space<vmem>>) target_semaphore(%arg11 : memref<!tpu.dma_semaphore, #tpu.memory_space<semaphore_mem>>)
    %dma_wait3A_86 = arith.constant 0 : i32
    %dma_wait3A_87 = tpu.memref_slice %arg2[%add3A_57, %dma_wait3A_86] : memref<16384x1000xf32, #tpu.memory_space<hbm>> -> memref<16x1000xf32, #tpu.memory_space<hbm>>
    %dma_wait3A_88 = arith.constant 0 : i32
    %dma_wait3A_89 = tpu.memref_slice %arg2[%add3A_57, %dma_wait3A_88] : memref<16384x1000xf32, #tpu.memory_space<hbm>> -> memref<16x1000xf32, #tpu.memory_space<hbm>>
    tpu.wait_dma2 semaphore(%arg12 : memref<!tpu.dma_semaphore, #tpu.memory_space<semaphore_mem>>) src(%dma_wait3A_89 : memref<16x1000xf32, #tpu.memory_space<hbm>>) dst(%arg7 : memref<16x1000xf32, #tpu.memory_space<vmem>>)
    %get3A_90 = arith.constant 48 : index
    %get3A_91 = tpu.vector_load %arg8[%get3A_90] {strides = array<i32>} : memref<128xi32, #tpu.memory_space<vmem>>, vector<16xi32>,
    %broadcast_in_dim3A_92 = arith.constant 0.000000e+00 : f32
    %broadcast_in_dim3A_93 = vector.broadcast %broadcast_in_dim3A_92 : f32 to vector<16xf32>
    %scan3A_94 = arith.constant 0 : i32
    %scan3A_95 = arith.constant 16 : i32
    %scan3A_96 = arith.addi %scan3A_94, %scan3A_95 : i32
    %scan3A_97 = arith.constant 1 : i32
    %scan3A_98:2 = scf.for %scan3A_198 = %scan3A_94 to %scan3A_96 step %scan3A_97 iter_args(%scan3A_199 = %broadcast_in_dim3A_93, %scan3A_200 = %broadcast_in_dim3A_93) -> (vector<16xf32>, vector<16xf32>)  : i32 {
      %eq3A = vector.broadcast %scan3A_198 : i32 to vector<16xi32>
      %eq3A_201 = arith.cmpi eq, %iota3A, %eq3A : vector<16xi32>
      %jit3A = arith.constant 0 : i32
      %broadcast_in_dim3A_202 = vector.broadcast %jit3A : i32 to vector<16xi32>
      %select_n3A = arith.select %eq3A_201, %get3A_91, %broadcast_in_dim3A_202 : vector<16xi1>, vector<16xi32>
      %broadcast_in_dim3A_203 = arith.constant true
      %broadcast_in_dim3A_204 = vector.broadcast %broadcast_in_dim3A_203 : i1 to vector<16xi1>
      %masked_cummax3A = arith.constant -2147483648 : i32
      %masked_cummax3A_205 = vector.broadcast %masked_cummax3A : i32 to vector<16xi32>
      %masked_cummax3A_206 = arith.xori %select_n3A, %masked_cummax3A_205 : vector<16xi32>
      %masked_cummax3A_207 = tpu.scan <max>, %masked_cummax3A_206 masked %broadcast_in_dim3A_204 : vector<16xi32>, vector<16xi1> -> vector<16xi32>
      %masked_cummax3A_208 = arith.xori %masked_cummax3A_207, %masked_cummax3A_205 : vector<16xi32>
      %rev3A = arith.constant 15 : i32
      %rev3A_209 = vector.broadcast %rev3A : i32 to vector<16xi32>
      %rev3A_210 = tpu.iota {dimensions = array<i32: 0>} : vector<16xi32>
      %rev3A_211 = arith.subi %rev3A_209, %rev3A_210 : vector<16xi32>
      %rev3A_212 = tpu.dynamic_gather %masked_cummax3A_208[%rev3A_211] in [0] : vector<16xi32>, vector<16xi32> -> vector<16xi32>
      %broadcast_in_dim3A_213 = arith.constant true
      %broadcast_in_dim3A_214 = vector.broadcast %broadcast_in_dim3A_213 : i1 to vector<16xi1>
      %masked_cummax3A_215 = arith.constant -2147483648 : i32
      %masked_cummax3A_216 = vector.broadcast %masked_cummax3A_215 : i32 to vector<16xi32>
      %masked_cummax3A_217 = arith.xori %rev3A_212, %masked_cummax3A_216 : vector<16xi32>
      %masked_cummax3A_218 = tpu.scan <max>, %masked_cummax3A_217 masked %broadcast_in_dim3A_214 : vector<16xi32>, vector<16xi1> -> vector<16xi32>
      %masked_cummax3A_219 = arith.xori %masked_cummax3A_218, %masked_cummax3A_216 : vector<16xi32>
      %scan3A_220 = arith.constant 0 : i32
      %scan3A_221 = arith.constant 62 : i32
      %scan3A_222 = arith.addi %scan3A_220, %scan3A_221 : i32
      %scan3A_223 = arith.constant 1 : i32
      %scan3A_224:4 = scf.for %scan3A_296 = %scan3A_220 to %scan3A_222 step %scan3A_223 iter_args(%scan3A_297 = %broadcast_in_dim3A_93, %scan3A_298 = %broadcast_in_dim3A_93, %scan3A_299 = %broadcast_in_dim3A_93, %scan3A_300 = %iota3A) -> (vector<16xf32>, vector<16xf32>, vector<16xf32>, vector<16xi32>)  : i32 {
        %mul3A_301 = arith.constant 16 : i32
        %mul3A_302 = arith.muli %scan3A_296, %mul3A_301 : i32
        %get3A_303 = arith.index_cast %scan3A_198 : i32 to index
        %get3A_304 = arith.index_cast %mul3A_302 : i32 to index
        %get3A_305 = tpu.vector_load %arg7[%get3A_303, %get3A_304] {strides = array<i32>} : memref<16x1000xf32, #tpu.memory_space<vmem>>, vector<16xf32>,
        %add3A_306 = arith.constant 8.000000e+00 : f32
        %add3A_307 = vector.broadcast %add3A_306 : f32 to vector<16xf32>
        %add3A_308 = arith.addf %get3A_305, %add3A_307 : vector<16xf32>
        %exp3A_309 = math.exp %get3A_305 : vector<16xf32>
        %add3A_310 = arith.addf %scan3A_297, %exp3A_309 : vector<16xf32>
        %add3A_311 = arith.addf %scan3A_298, %add3A_308 : vector<16xf32>
        %eq3A_312 = arith.cmpi eq, %scan3A_300, %masked_cummax3A_219 : vector<16xi32>
        %jit3A_313 = arith.constant 0.000000e+00 : f32
        %broadcast_in_dim3A_314 = vector.broadcast %jit3A_313 : f32 to vector<16xf32>
        %select_n3A_315 = arith.select %eq3A_312, %add3A_308, %broadcast_in_dim3A_314 : vector<16xi1>, vector<16xf32>
        %add3A_316 = arith.addf %scan3A_299, %select_n3A_315 : vector<16xf32>
        %add3A_317 = arith.constant 16 : i32
        %add3A_318 = vector.broadcast %add3A_317 : i32 to vector<16xi32>
        %add3A_319 = arith.addi %scan3A_300, %add3A_318 : vector<16xi32>
        scf.yield %add3A_310, %add3A_311, %add3A_316, %add3A_319 : vector<16xf32>, vector<16xf32>, vector<16xf32>, vector<16xi32>
      }
      %scan3A_225 = arith.constant 62 : i32
      %get3A_226 = arith.index_cast %scan3A_198 : i32 to index
      %get3A_227 = arith.constant 984 : index
      %get3A_228 = tpu.vector_load %arg7[%get3A_226, %get3A_227] {strides = array<i32>} : memref<16x1000xf32, #tpu.memory_space<vmem>>, vector<16xf32>,
      %add3A_229 = arith.constant 984 : i32
      %add3A_230 = vector.broadcast %add3A_229 : i32 to vector<16xi32>
      %add3A_231 = arith.addi %iota3A, %add3A_230 : vector<16xi32>
      %ge3A = arith.constant 992 : i32
      %ge3A_232 = vector.broadcast %ge3A : i32 to vector<16xi32>
      %ge3A_233 = arith.cmpi sge, %add3A_231, %ge3A_232 : vector<16xi32>
      %add3A_234 = arith.constant 8.000000e+00 : f32
      %add3A_235 = vector.broadcast %add3A_234 : f32 to vector<16xf32>
      %add3A_236 = arith.addf %get3A_228, %add3A_235 : vector<16xf32>
      %exp3A = math.exp %get3A_228 : vector<16xf32>
      %jit3A_237 = arith.constant 0.000000e+00 : f32
      %broadcast_in_dim3A_238 = vector.broadcast %jit3A_237 : f32 to vector<16xf32>
      %select_n3A_239 = arith.select %ge3A_233, %exp3A, %broadcast_in_dim3A_238 : vector<16xi1>, vector<16xf32>
      %add3A_240 = arith.addf %scan3A_224#0, %select_n3A_239 : vector<16xf32>
      %jit3A_241 = arith.constant 0.000000e+00 : f32
      %broadcast_in_dim3A_242 = vector.broadcast %jit3A_241 : f32 to vector<16xf32>
      %select_n3A_243 = arith.select %ge3A_233, %add3A_236, %broadcast_in_dim3A_242 : vector<16xi1>, vector<16xf32>
      %add3A_244 = arith.addf %scan3A_224#1, %select_n3A_243 : vector<16xf32>
      %eq3A_245 = arith.cmpi eq, %add3A_231, %masked_cummax3A_219 : vector<16xi32>
      %and3A = arith.andi %ge3A_233, %eq3A_245 : vector<16xi1>
      %jit3A_246 = arith.constant 0.000000e+00 : f32
      %broadcast_in_dim3A_247 = vector.broadcast %jit3A_246 : f32 to vector<16xf32>
      %select_n3A_248 = arith.select %and3A, %add3A_236, %broadcast_in_dim3A_247 : vector<16xi1>, vector<16xf32>
      %add3A_249 = arith.addf %scan3A_224#2, %select_n3A_248 : vector<16xf32>
      %broadcast_in_dim3A_250 = arith.constant true
      %broadcast_in_dim3A_251 = vector.broadcast %broadcast_in_dim3A_250 : i1 to vector<16xi1>
      %masked_cumsum3A = tpu.scan <sum>, %add3A_240 masked %broadcast_in_dim3A_251 : vector<16xf32>, vector<16xi1> -> vector<16xf32>
      %rev3A_252 = arith.constant 15 : i32
      %rev3A_253 = vector.broadcast %rev3A_252 : i32 to vector<16xi32>
      %rev3A_254 = tpu.iota {dimensions = array<i32: 0>} : vector<16xi32>
      %rev3A_255 = arith.subi %rev3A_253, %rev3A_254 : vector<16xi32>
      %rev3A_256 = tpu.dynamic_gather %masked_cumsum3A[%rev3A_255] in [0] : vector<16xf32>, vector<16xi32> -> vector<16xf32>
      %broadcast_in_dim3A_257 = arith.constant true
      %broadcast_in_dim3A_258 = vector.broadcast %broadcast_in_dim3A_257 : i1 to vector<16xi1>
      %masked_cummax3A_259 = tpu.scan <max>, %rev3A_256 masked %broadcast_in_dim3A_258 : vector<16xf32>, vector<16xi1> -> vector<16xf32>
      %broadcast_in_dim3A_260 = arith.constant true
      %broadcast_in_dim3A_261 = vector.broadcast %broadcast_in_dim3A_260 : i1 to vector<16xi1>
      %masked_cumsum3A_262 = tpu.scan <sum>, %add3A_244 masked %broadcast_in_dim3A_261 : vector<16xf32>, vector<16xi1> -> vector<16xf32>
      %rev3A_263 = arith.constant 15 : i32
      %rev3A_264 = vector.broadcast %rev3A_263 : i32 to vector<16xi32>
      %rev3A_265 = tpu.iota {dimensions = array<i32: 0>} : vector<16xi32>
      %rev3A_266 = arith.subi %rev3A_264, %rev3A_265 : vector<16xi32>
      %rev3A_267 = tpu.dynamic_gather %masked_cumsum3A_262[%rev3A_266] in [0] : vector<16xf32>, vector<16xi32> -> vector<16xf32>
      %broadcast_in_dim3A_268 = arith.constant true
      %broadcast_in_dim3A_269 = vector.broadcast %broadcast_in_dim3A_268 : i1 to vector<16xi1>
      %masked_cummax3A_270 = tpu.scan <max>, %rev3A_267 masked %broadcast_in_dim3A_269 : vector<16xf32>, vector<16xi1> -> vector<16xf32>
      %sub3A = arith.constant 8.000000e+03 : f32
      %sub3A_271 = vector.broadcast %sub3A : f32 to vector<16xf32>
      %sub3A_272 = arith.subf %masked_cummax3A_270, %sub3A_271 : vector<16xf32>
      %broadcast_in_dim3A_273 = arith.constant true
      %broadcast_in_dim3A_274 = vector.broadcast %broadcast_in_dim3A_273 : i1 to vector<16xi1>
      %masked_cumsum3A_275 = tpu.scan <sum>, %add3A_249 masked %broadcast_in_dim3A_274 : vector<16xf32>, vector<16xi1> -> vector<16xf32>
      %rev3A_276 = arith.constant 15 : i32
      %rev3A_277 = vector.broadcast %rev3A_276 : i32 to vector<16xi32>
      %rev3A_278 = tpu.iota {dimensions = array<i32: 0>} : vector<16xi32>
      %rev3A_279 = arith.subi %rev3A_277, %rev3A_278 : vector<16xi32>
      %rev3A_280 = tpu.dynamic_gather %masked_cumsum3A_275[%rev3A_279] in [0] : vector<16xf32>, vector<16xi32> -> vector<16xf32>
      %broadcast_in_dim3A_281 = arith.constant true
      %broadcast_in_dim3A_282 = vector.broadcast %broadcast_in_dim3A_281 : i1 to vector<16xi1>
      %masked_cummax3A_283 = tpu.scan <max>, %rev3A_280 masked %broadcast_in_dim3A_282 : vector<16xf32>, vector<16xi1> -> vector<16xf32>
      %sub3A_284 = arith.constant 8.000000e+00 : f32
      %sub3A_285 = vector.broadcast %sub3A_284 : f32 to vector<16xf32>
      %sub3A_286 = arith.subf %masked_cummax3A_283, %sub3A_285 : vector<16xf32>
      %select_n3A_287 = arith.select %eq3A_201, %masked_cummax3A_259, %scan3A_199 : vector<16xi1>, vector<16xf32>
      %mul3A_288 = arith.constant 1.001001E-4 : f32
      %mul3A_289 = vector.broadcast %mul3A_288 : f32 to vector<16xf32>
      %mul3A_290 = arith.mulf %mul3A_289, %sub3A_272 : vector<16xf32>
      %mul3A_291 = arith.constant 0.899899899 : f32
      %mul3A_292 = vector.broadcast %mul3A_291 : f32 to vector<16xf32>
      %mul3A_293 = arith.mulf %mul3A_292, %sub3A_286 : vector<16xf32>
      %add3A_294 = arith.addf %mul3A_290, %mul3A_293 : vector<16xf32>
      %select_n3A_295 = arith.select %eq3A_201, %add3A_294, %scan3A_200 : vector<16xi1>, vector<16xf32>
      scf.yield %select_n3A_287, %select_n3A_295 : vector<16xf32>, vector<16xf32>
    }
    %scan3A_99 = arith.constant 16 : i32
    %swap3A_100 = arith.constant 48 : index
    %swap3A_101 = tpu.vector_load %arg9[%swap3A_100] {strides = array<i32>} : memref<128xf32, #tpu.memory_space<vmem>>, vector<16xf32>,
    tpu.vector_store %arg9[%swap3A_100], %scan3A_98#0 {strides = array<i32>} : memref<128xf32, #tpu.memory_space<vmem>>, vector<16xf32>,
    %swap3A_102 = arith.constant 48 : index
    %swap3A_103 = tpu.vector_load %arg10[%swap3A_102] {strides = array<i32>} : memref<128xf32, #tpu.memory_space<vmem>>, vector<16xf32>,
    tpu.vector_store %arg10[%swap3A_102], %scan3A_98#1 {strides = array<i32>} : memref<128xf32, #tpu.memory_space<vmem>>, vector<16xf32>,
    %add3A_104 = arith.constant 80 : i32
    %add3A_105 = arith.addi %add3A_4, %add3A_104 : i32
    %dma_start3A_106 = arith.constant 0 : i32
    %dma_start3A_107 = tpu.memref_slice %arg2[%add3A_105, %dma_start3A_106] : memref<16384x1000xf32, #tpu.memory_space<hbm>> -> memref<16x1000xf32, #tpu.memory_space<hbm>>
    %dma_start3A_108 = arith.constant 0 : i32
    %dma_start3A_109 = tpu.memref_slice %arg2[%add3A_105, %dma_start3A_108] : memref<16384x1000xf32, #tpu.memory_space<hbm>> -> memref<16x1000xf32, #tpu.memory_space<hbm>>
    tpu.enqueue_dma source(%dma_start3A_109 : memref<16x1000xf32, #tpu.memory_space<hbm>>) target(%arg7 : memref<16x1000xf32, #tpu.memory_space<vmem>>) target_semaphore(%arg12 : memref<!tpu.dma_semaphore, #tpu.memory_space<semaphore_mem>>)
    %dma_wait3A_110 = arith.constant 0 : i32
    %dma_wait3A_111 = tpu.memref_slice %arg2[%add3A_81, %dma_wait3A_110] : memref<16384x1000xf32, #tpu.memory_space<hbm>> -> memref<16x1000xf32, #tpu.memory_space<hbm>>
    %dma_wait3A_112 = arith.constant 0 : i32
    %dma_wait3A_113 = tpu.memref_slice %arg2[%add3A_81, %dma_wait3A_112] : memref<16384x1000xf32, #tpu.memory_space<hbm>> -> memref<16x1000xf32, #tpu.memory_space<hbm>>
    tpu.wait_dma2 semaphore(%arg11 : memref<!tpu.dma_semaphore, #tpu.memory_space<semaphore_mem>>) src(%dma_wait3A_113 : memref<16x1000xf32, #tpu.memory_space<hbm>>) dst(%arg6 : memref<16x1000xf32, #tpu.memory_space<vmem>>)
    %get3A_114 = arith.constant 64 : index
    %get3A_115 = tpu.vector_load %arg8[%get3A_114] {strides = array<i32>} : memref<128xi32, #tpu.memory_space<vmem>>, vector<16xi32>,
    %broadcast_in_dim3A_116 = arith.constant 0.000000e+00 : f32
    %broadcast_in_dim3A_117 = vector.broadcast %broadcast_in_dim3A_116 : f32 to vector<16xf32>
    %scan3A_118 = arith.constant 0 : i32
    %scan3A_119 = arith.constant 16 : i32
    %scan3A_120 = arith.addi %scan3A_118, %scan3A_119 : i32
    %scan3A_121 = arith.constant 1 : i32
    %scan3A_122:2 = scf.for %scan3A_198 = %scan3A_118 to %scan3A_120 step %scan3A_121 iter_args(%scan3A_199 = %broadcast_in_dim3A_117, %scan3A_200 = %broadcast_in_dim3A_117) -> (vector<16xf32>, vector<16xf32>)  : i32 {
      %eq3A = vector.broadcast %scan3A_198 : i32 to vector<16xi32>
      %eq3A_201 = arith.cmpi eq, %iota3A, %eq3A : vector<16xi32>
      %jit3A = arith.constant 0 : i32
      %broadcast_in_dim3A_202 = vector.broadcast %jit3A : i32 to vector<16xi32>
      %select_n3A = arith.select %eq3A_201, %get3A_115, %broadcast_in_dim3A_202 : vector<16xi1>, vector<16xi32>
      %broadcast_in_dim3A_203 = arith.constant true
      %broadcast_in_dim3A_204 = vector.broadcast %broadcast_in_dim3A_203 : i1 to vector<16xi1>
      %masked_cummax3A = arith.constant -2147483648 : i32
      %masked_cummax3A_205 = vector.broadcast %masked_cummax3A : i32 to vector<16xi32>
      %masked_cummax3A_206 = arith.xori %select_n3A, %masked_cummax3A_205 : vector<16xi32>
      %masked_cummax3A_207 = tpu.scan <max>, %masked_cummax3A_206 masked %broadcast_in_dim3A_204 : vector<16xi32>, vector<16xi1> -> vector<16xi32>
      %masked_cummax3A_208 = arith.xori %masked_cummax3A_207, %masked_cummax3A_205 : vector<16xi32>
      %rev3A = arith.constant 15 : i32
      %rev3A_209 = vector.broadcast %rev3A : i32 to vector<16xi32>
      %rev3A_210 = tpu.iota {dimensions = array<i32: 0>} : vector<16xi32>
      %rev3A_211 = arith.subi %rev3A_209, %rev3A_210 : vector<16xi32>
      %rev3A_212 = tpu.dynamic_gather %masked_cummax3A_208[%rev3A_211] in [0] : vector<16xi32>, vector<16xi32> -> vector<16xi32>
      %broadcast_in_dim3A_213 = arith.constant true
      %broadcast_in_dim3A_214 = vector.broadcast %broadcast_in_dim3A_213 : i1 to vector<16xi1>
      %masked_cummax3A_215 = arith.constant -2147483648 : i32
      %masked_cummax3A_216 = vector.broadcast %masked_cummax3A_215 : i32 to vector<16xi32>
      %masked_cummax3A_217 = arith.xori %rev3A_212, %masked_cummax3A_216 : vector<16xi32>
      %masked_cummax3A_218 = tpu.scan <max>, %masked_cummax3A_217 masked %broadcast_in_dim3A_214 : vector<16xi32>, vector<16xi1> -> vector<16xi32>
      %masked_cummax3A_219 = arith.xori %masked_cummax3A_218, %masked_cummax3A_216 : vector<16xi32>
      %scan3A_220 = arith.constant 0 : i32
      %scan3A_221 = arith.constant 62 : i32
      %scan3A_222 = arith.addi %scan3A_220, %scan3A_221 : i32
      %scan3A_223 = arith.constant 1 : i32
      %scan3A_224:4 = scf.for %scan3A_296 = %scan3A_220 to %scan3A_222 step %scan3A_223 iter_args(%scan3A_297 = %broadcast_in_dim3A_117, %scan3A_298 = %broadcast_in_dim3A_117, %scan3A_299 = %broadcast_in_dim3A_117, %scan3A_300 = %iota3A) -> (vector<16xf32>, vector<16xf32>, vector<16xf32>, vector<16xi32>)  : i32 {
        %mul3A_301 = arith.constant 16 : i32
        %mul3A_302 = arith.muli %scan3A_296, %mul3A_301 : i32
        %get3A_303 = arith.index_cast %scan3A_198 : i32 to index
        %get3A_304 = arith.index_cast %mul3A_302 : i32 to index
        %get3A_305 = tpu.vector_load %arg6[%get3A_303, %get3A_304] {strides = array<i32>} : memref<16x1000xf32, #tpu.memory_space<vmem>>, vector<16xf32>,
        %add3A_306 = arith.constant 8.000000e+00 : f32
        %add3A_307 = vector.broadcast %add3A_306 : f32 to vector<16xf32>
        %add3A_308 = arith.addf %get3A_305, %add3A_307 : vector<16xf32>
        %exp3A_309 = math.exp %get3A_305 : vector<16xf32>
        %add3A_310 = arith.addf %scan3A_297, %exp3A_309 : vector<16xf32>
        %add3A_311 = arith.addf %scan3A_298, %add3A_308 : vector<16xf32>
        %eq3A_312 = arith.cmpi eq, %scan3A_300, %masked_cummax3A_219 : vector<16xi32>
        %jit3A_313 = arith.constant 0.000000e+00 : f32
        %broadcast_in_dim3A_314 = vector.broadcast %jit3A_313 : f32 to vector<16xf32>
        %select_n3A_315 = arith.select %eq3A_312, %add3A_308, %broadcast_in_dim3A_314 : vector<16xi1>, vector<16xf32>
        %add3A_316 = arith.addf %scan3A_299, %select_n3A_315 : vector<16xf32>
        %add3A_317 = arith.constant 16 : i32
        %add3A_318 = vector.broadcast %add3A_317 : i32 to vector<16xi32>
        %add3A_319 = arith.addi %scan3A_300, %add3A_318 : vector<16xi32>
        scf.yield %add3A_310, %add3A_311, %add3A_316, %add3A_319 : vector<16xf32>, vector<16xf32>, vector<16xf32>, vector<16xi32>
      }
      %scan3A_225 = arith.constant 62 : i32
      %get3A_226 = arith.index_cast %scan3A_198 : i32 to index
      %get3A_227 = arith.constant 984 : index
      %get3A_228 = tpu.vector_load %arg6[%get3A_226, %get3A_227] {strides = array<i32>} : memref<16x1000xf32, #tpu.memory_space<vmem>>, vector<16xf32>,
      %add3A_229 = arith.constant 984 : i32
      %add3A_230 = vector.broadcast %add3A_229 : i32 to vector<16xi32>
      %add3A_231 = arith.addi %iota3A, %add3A_230 : vector<16xi32>
      %ge3A = arith.constant 992 : i32
      %ge3A_232 = vector.broadcast %ge3A : i32 to vector<16xi32>
      %ge3A_233 = arith.cmpi sge, %add3A_231, %ge3A_232 : vector<16xi32>
      %add3A_234 = arith.constant 8.000000e+00 : f32
      %add3A_235 = vector.broadcast %add3A_234 : f32 to vector<16xf32>
      %add3A_236 = arith.addf %get3A_228, %add3A_235 : vector<16xf32>
      %exp3A = math.exp %get3A_228 : vector<16xf32>
      %jit3A_237 = arith.constant 0.000000e+00 : f32
      %broadcast_in_dim3A_238 = vector.broadcast %jit3A_237 : f32 to vector<16xf32>
      %select_n3A_239 = arith.select %ge3A_233, %exp3A, %broadcast_in_dim3A_238 : vector<16xi1>, vector<16xf32>
      %add3A_240 = arith.addf %scan3A_224#0, %select_n3A_239 : vector<16xf32>
      %jit3A_241 = arith.constant 0.000000e+00 : f32
      %broadcast_in_dim3A_242 = vector.broadcast %jit3A_241 : f32 to vector<16xf32>
      %select_n3A_243 = arith.select %ge3A_233, %add3A_236, %broadcast_in_dim3A_242 : vector<16xi1>, vector<16xf32>
      %add3A_244 = arith.addf %scan3A_224#1, %select_n3A_243 : vector<16xf32>
      %eq3A_245 = arith.cmpi eq, %add3A_231, %masked_cummax3A_219 : vector<16xi32>
      %and3A = arith.andi %ge3A_233, %eq3A_245 : vector<16xi1>
      %jit3A_246 = arith.constant 0.000000e+00 : f32
      %broadcast_in_dim3A_247 = vector.broadcast %jit3A_246 : f32 to vector<16xf32>
      %select_n3A_248 = arith.select %and3A, %add3A_236, %broadcast_in_dim3A_247 : vector<16xi1>, vector<16xf32>
      %add3A_249 = arith.addf %scan3A_224#2, %select_n3A_248 : vector<16xf32>
      %broadcast_in_dim3A_250 = arith.constant true
      %broadcast_in_dim3A_251 = vector.broadcast %broadcast_in_dim3A_250 : i1 to vector<16xi1>
      %masked_cumsum3A = tpu.scan <sum>, %add3A_240 masked %broadcast_in_dim3A_251 : vector<16xf32>, vector<16xi1> -> vector<16xf32>
      %rev3A_252 = arith.constant 15 : i32
      %rev3A_253 = vector.broadcast %rev3A_252 : i32 to vector<16xi32>
      %rev3A_254 = tpu.iota {dimensions = array<i32: 0>} : vector<16xi32>
      %rev3A_255 = arith.subi %rev3A_253, %rev3A_254 : vector<16xi32>
      %rev3A_256 = tpu.dynamic_gather %masked_cumsum3A[%rev3A_255] in [0] : vector<16xf32>, vector<16xi32> -> vector<16xf32>
      %broadcast_in_dim3A_257 = arith.constant true
      %broadcast_in_dim3A_258 = vector.broadcast %broadcast_in_dim3A_257 : i1 to vector<16xi1>
      %masked_cummax3A_259 = tpu.scan <max>, %rev3A_256 masked %broadcast_in_dim3A_258 : vector<16xf32>, vector<16xi1> -> vector<16xf32>
      %broadcast_in_dim3A_260 = arith.constant true
      %broadcast_in_dim3A_261 = vector.broadcast %broadcast_in_dim3A_260 : i1 to vector<16xi1>
      %masked_cumsum3A_262 = tpu.scan <sum>, %add3A_244 masked %broadcast_in_dim3A_261 : vector<16xf32>, vector<16xi1> -> vector<16xf32>
      %rev3A_263 = arith.constant 15 : i32
      %rev3A_264 = vector.broadcast %rev3A_263 : i32 to vector<16xi32>
      %rev3A_265 = tpu.iota {dimensions = array<i32: 0>} : vector<16xi32>
      %rev3A_266 = arith.subi %rev3A_264, %rev3A_265 : vector<16xi32>
      %rev3A_267 = tpu.dynamic_gather %masked_cumsum3A_262[%rev3A_266] in [0] : vector<16xf32>, vector<16xi32> -> vector<16xf32>
      %broadcast_in_dim3A_268 = arith.constant true
      %broadcast_in_dim3A_269 = vector.broadcast %broadcast_in_dim3A_268 : i1 to vector<16xi1>
      %masked_cummax3A_270 = tpu.scan <max>, %rev3A_267 masked %broadcast_in_dim3A_269 : vector<16xf32>, vector<16xi1> -> vector<16xf32>
      %sub3A = arith.constant 8.000000e+03 : f32
      %sub3A_271 = vector.broadcast %sub3A : f32 to vector<16xf32>
      %sub3A_272 = arith.subf %masked_cummax3A_270, %sub3A_271 : vector<16xf32>
      %broadcast_in_dim3A_273 = arith.constant true
      %broadcast_in_dim3A_274 = vector.broadcast %broadcast_in_dim3A_273 : i1 to vector<16xi1>
      %masked_cumsum3A_275 = tpu.scan <sum>, %add3A_249 masked %broadcast_in_dim3A_274 : vector<16xf32>, vector<16xi1> -> vector<16xf32>
      %rev3A_276 = arith.constant 15 : i32
      %rev3A_277 = vector.broadcast %rev3A_276 : i32 to vector<16xi32>
      %rev3A_278 = tpu.iota {dimensions = array<i32: 0>} : vector<16xi32>
      %rev3A_279 = arith.subi %rev3A_277, %rev3A_278 : vector<16xi32>
      %rev3A_280 = tpu.dynamic_gather %masked_cumsum3A_275[%rev3A_279] in [0] : vector<16xf32>, vector<16xi32> -> vector<16xf32>
      %broadcast_in_dim3A_281 = arith.constant true
      %broadcast_in_dim3A_282 = vector.broadcast %broadcast_in_dim3A_281 : i1 to vector<16xi1>
      %masked_cummax3A_283 = tpu.scan <max>, %rev3A_280 masked %broadcast_in_dim3A_282 : vector<16xf32>, vector<16xi1> -> vector<16xf32>
      %sub3A_284 = arith.constant 8.000000e+00 : f32
      %sub3A_285 = vector.broadcast %sub3A_284 : f32 to vector<16xf32>
      %sub3A_286 = arith.subf %masked_cummax3A_283, %sub3A_285 : vector<16xf32>
      %select_n3A_287 = arith.select %eq3A_201, %masked_cummax3A_259, %scan3A_199 : vector<16xi1>, vector<16xf32>
      %mul3A_288 = arith.constant 1.001001E-4 : f32
      %mul3A_289 = vector.broadcast %mul3A_288 : f32 to vector<16xf32>
      %mul3A_290 = arith.mulf %mul3A_289, %sub3A_272 : vector<16xf32>
      %mul3A_291 = arith.constant 0.899899899 : f32
      %mul3A_292 = vector.broadcast %mul3A_291 : f32 to vector<16xf32>
      %mul3A_293 = arith.mulf %mul3A_292, %sub3A_286 : vector<16xf32>
      %add3A_294 = arith.addf %mul3A_290, %mul3A_293 : vector<16xf32>
      %select_n3A_295 = arith.select %eq3A_201, %add3A_294, %scan3A_200 : vector<16xi1>, vector<16xf32>
      scf.yield %select_n3A_287, %select_n3A_295 : vector<16xf32>, vector<16xf32>
    }
    %scan3A_123 = arith.constant 16 : i32
    %swap3A_124 = arith.constant 64 : index
    %swap3A_125 = tpu.vector_load %arg9[%swap3A_124] {strides = array<i32>} : memref<128xf32, #tpu.memory_space<vmem>>, vector<16xf32>,
    tpu.vector_store %arg9[%swap3A_124], %scan3A_122#0 {strides = array<i32>} : memref<128xf32, #tpu.memory_space<vmem>>, vector<16xf32>,
    %swap3A_126 = arith.constant 64 : index
    %swap3A_127 = tpu.vector_load %arg10[%swap3A_126] {strides = array<i32>} : memref<128xf32, #tpu.memory_space<vmem>>, vector<16xf32>,
    tpu.vector_store %arg10[%swap3A_126], %scan3A_122#1 {strides = array<i32>} : memref<128xf32, #tpu.memory_space<vmem>>, vector<16xf32>,
    %add3A_128 = arith.constant 96 : i32
    %add3A_129 = arith.addi %add3A_4, %add3A_128 : i32
    %dma_start3A_130 = arith.constant 0 : i32
    %dma_start3A_131 = tpu.memref_slice %arg2[%add3A_129, %dma_start3A_130] : memref<16384x1000xf32, #tpu.memory_space<hbm>> -> memref<16x1000xf32, #tpu.memory_space<hbm>>
    %dma_start3A_132 = arith.constant 0 : i32
    %dma_start3A_133 = tpu.memref_slice %arg2[%add3A_129, %dma_start3A_132] : memref<16384x1000xf32, #tpu.memory_space<hbm>> -> memref<16x1000xf32, #tpu.memory_space<hbm>>
    tpu.enqueue_dma source(%dma_start3A_133 : memref<16x1000xf32, #tpu.memory_space<hbm>>) target(%arg6 : memref<16x1000xf32, #tpu.memory_space<vmem>>) target_semaphore(%arg11 : memref<!tpu.dma_semaphore, #tpu.memory_space<semaphore_mem>>)
    %dma_wait3A_134 = arith.constant 0 : i32
    %dma_wait3A_135 = tpu.memref_slice %arg2[%add3A_105, %dma_wait3A_134] : memref<16384x1000xf32, #tpu.memory_space<hbm>> -> memref<16x1000xf32, #tpu.memory_space<hbm>>
    %dma_wait3A_136 = arith.constant 0 : i32
    %dma_wait3A_137 = tpu.memref_slice %arg2[%add3A_105, %dma_wait3A_136] : memref<16384x1000xf32, #tpu.memory_space<hbm>> -> memref<16x1000xf32, #tpu.memory_space<hbm>>
    tpu.wait_dma2 semaphore(%arg12 : memref<!tpu.dma_semaphore, #tpu.memory_space<semaphore_mem>>) src(%dma_wait3A_137 : memref<16x1000xf32, #tpu.memory_space<hbm>>) dst(%arg7 : memref<16x1000xf32, #tpu.memory_space<vmem>>)
    %get3A_138 = arith.constant 80 : index
    %get3A_139 = tpu.vector_load %arg8[%get3A_138] {strides = array<i32>} : memref<128xi32, #tpu.memory_space<vmem>>, vector<16xi32>,
    %broadcast_in_dim3A_140 = arith.constant 0.000000e+00 : f32
    %broadcast_in_dim3A_141 = vector.broadcast %broadcast_in_dim3A_140 : f32 to vector<16xf32>
    %scan3A_142 = arith.constant 0 : i32
    %scan3A_143 = arith.constant 16 : i32
    %scan3A_144 = arith.addi %scan3A_142, %scan3A_143 : i32
    %scan3A_145 = arith.constant 1 : i32
    %scan3A_146:2 = scf.for %scan3A_198 = %scan3A_142 to %scan3A_144 step %scan3A_145 iter_args(%scan3A_199 = %broadcast_in_dim3A_141, %scan3A_200 = %broadcast_in_dim3A_141) -> (vector<16xf32>, vector<16xf32>)  : i32 {
      %eq3A = vector.broadcast %scan3A_198 : i32 to vector<16xi32>
      %eq3A_201 = arith.cmpi eq, %iota3A, %eq3A : vector<16xi32>
      %jit3A = arith.constant 0 : i32
      %broadcast_in_dim3A_202 = vector.broadcast %jit3A : i32 to vector<16xi32>
      %select_n3A = arith.select %eq3A_201, %get3A_139, %broadcast_in_dim3A_202 : vector<16xi1>, vector<16xi32>
      %broadcast_in_dim3A_203 = arith.constant true
      %broadcast_in_dim3A_204 = vector.broadcast %broadcast_in_dim3A_203 : i1 to vector<16xi1>
      %masked_cummax3A = arith.constant -2147483648 : i32
      %masked_cummax3A_205 = vector.broadcast %masked_cummax3A : i32 to vector<16xi32>
      %masked_cummax3A_206 = arith.xori %select_n3A, %masked_cummax3A_205 : vector<16xi32>
      %masked_cummax3A_207 = tpu.scan <max>, %masked_cummax3A_206 masked %broadcast_in_dim3A_204 : vector<16xi32>, vector<16xi1> -> vector<16xi32>
      %masked_cummax3A_208 = arith.xori %masked_cummax3A_207, %masked_cummax3A_205 : vector<16xi32>
      %rev3A = arith.constant 15 : i32
      %rev3A_209 = vector.broadcast %rev3A : i32 to vector<16xi32>
      %rev3A_210 = tpu.iota {dimensions = array<i32: 0>} : vector<16xi32>
      %rev3A_211 = arith.subi %rev3A_209, %rev3A_210 : vector<16xi32>
      %rev3A_212 = tpu.dynamic_gather %masked_cummax3A_208[%rev3A_211] in [0] : vector<16xi32>, vector<16xi32> -> vector<16xi32>
      %broadcast_in_dim3A_213 = arith.constant true
      %broadcast_in_dim3A_214 = vector.broadcast %broadcast_in_dim3A_213 : i1 to vector<16xi1>
      %masked_cummax3A_215 = arith.constant -2147483648 : i32
      %masked_cummax3A_216 = vector.broadcast %masked_cummax3A_215 : i32 to vector<16xi32>
      %masked_cummax3A_217 = arith.xori %rev3A_212, %masked_cummax3A_216 : vector<16xi32>
      %masked_cummax3A_218 = tpu.scan <max>, %masked_cummax3A_217 masked %broadcast_in_dim3A_214 : vector<16xi32>, vector<16xi1> -> vector<16xi32>
      %masked_cummax3A_219 = arith.xori %masked_cummax3A_218, %masked_cummax3A_216 : vector<16xi32>
      %scan3A_220 = arith.constant 0 : i32
      %scan3A_221 = arith.constant 62 : i32
      %scan3A_222 = arith.addi %scan3A_220, %scan3A_221 : i32
      %scan3A_223 = arith.constant 1 : i32
      %scan3A_224:4 = scf.for %scan3A_296 = %scan3A_220 to %scan3A_222 step %scan3A_223 iter_args(%scan3A_297 = %broadcast_in_dim3A_141, %scan3A_298 = %broadcast_in_dim3A_141, %scan3A_299 = %broadcast_in_dim3A_141, %scan3A_300 = %iota3A) -> (vector<16xf32>, vector<16xf32>, vector<16xf32>, vector<16xi32>)  : i32 {
        %mul3A_301 = arith.constant 16 : i32
        %mul3A_302 = arith.muli %scan3A_296, %mul3A_301 : i32
        %get3A_303 = arith.index_cast %scan3A_198 : i32 to index
        %get3A_304 = arith.index_cast %mul3A_302 : i32 to index
        %get3A_305 = tpu.vector_load %arg7[%get3A_303, %get3A_304] {strides = array<i32>} : memref<16x1000xf32, #tpu.memory_space<vmem>>, vector<16xf32>,
        %add3A_306 = arith.constant 8.000000e+00 : f32
        %add3A_307 = vector.broadcast %add3A_306 : f32 to vector<16xf32>
        %add3A_308 = arith.addf %get3A_305, %add3A_307 : vector<16xf32>
        %exp3A_309 = math.exp %get3A_305 : vector<16xf32>
        %add3A_310 = arith.addf %scan3A_297, %exp3A_309 : vector<16xf32>
        %add3A_311 = arith.addf %scan3A_298, %add3A_308 : vector<16xf32>
        %eq3A_312 = arith.cmpi eq, %scan3A_300, %masked_cummax3A_219 : vector<16xi32>
        %jit3A_313 = arith.constant 0.000000e+00 : f32
        %broadcast_in_dim3A_314 = vector.broadcast %jit3A_313 : f32 to vector<16xf32>
        %select_n3A_315 = arith.select %eq3A_312, %add3A_308, %broadcast_in_dim3A_314 : vector<16xi1>, vector<16xf32>
        %add3A_316 = arith.addf %scan3A_299, %select_n3A_315 : vector<16xf32>
        %add3A_317 = arith.constant 16 : i32
        %add3A_318 = vector.broadcast %add3A_317 : i32 to vector<16xi32>
        %add3A_319 = arith.addi %scan3A_300, %add3A_318 : vector<16xi32>
        scf.yield %add3A_310, %add3A_311, %add3A_316, %add3A_319 : vector<16xf32>, vector<16xf32>, vector<16xf32>, vector<16xi32>
      }
      %scan3A_225 = arith.constant 62 : i32
      %get3A_226 = arith.index_cast %scan3A_198 : i32 to index
      %get3A_227 = arith.constant 984 : index
      %get3A_228 = tpu.vector_load %arg7[%get3A_226, %get3A_227] {strides = array<i32>} : memref<16x1000xf32, #tpu.memory_space<vmem>>, vector<16xf32>,
      %add3A_229 = arith.constant 984 : i32
      %add3A_230 = vector.broadcast %add3A_229 : i32 to vector<16xi32>
      %add3A_231 = arith.addi %iota3A, %add3A_230 : vector<16xi32>
      %ge3A = arith.constant 992 : i32
      %ge3A_232 = vector.broadcast %ge3A : i32 to vector<16xi32>
      %ge3A_233 = arith.cmpi sge, %add3A_231, %ge3A_232 : vector<16xi32>
      %add3A_234 = arith.constant 8.000000e+00 : f32
      %add3A_235 = vector.broadcast %add3A_234 : f32 to vector<16xf32>
      %add3A_236 = arith.addf %get3A_228, %add3A_235 : vector<16xf32>
      %exp3A = math.exp %get3A_228 : vector<16xf32>
      %jit3A_237 = arith.constant 0.000000e+00 : f32
      %broadcast_in_dim3A_238 = vector.broadcast %jit3A_237 : f32 to vector<16xf32>
      %select_n3A_239 = arith.select %ge3A_233, %exp3A, %broadcast_in_dim3A_238 : vector<16xi1>, vector<16xf32>
      %add3A_240 = arith.addf %scan3A_224#0, %select_n3A_239 : vector<16xf32>
      %jit3A_241 = arith.constant 0.000000e+00 : f32
      %broadcast_in_dim3A_242 = vector.broadcast %jit3A_241 : f32 to vector<16xf32>
      %select_n3A_243 = arith.select %ge3A_233, %add3A_236, %broadcast_in_dim3A_242 : vector<16xi1>, vector<16xf32>
      %add3A_244 = arith.addf %scan3A_224#1, %select_n3A_243 : vector<16xf32>
      %eq3A_245 = arith.cmpi eq, %add3A_231, %masked_cummax3A_219 : vector<16xi32>
      %and3A = arith.andi %ge3A_233, %eq3A_245 : vector<16xi1>
      %jit3A_246 = arith.constant 0.000000e+00 : f32
      %broadcast_in_dim3A_247 = vector.broadcast %jit3A_246 : f32 to vector<16xf32>
      %select_n3A_248 = arith.select %and3A, %add3A_236, %broadcast_in_dim3A_247 : vector<16xi1>, vector<16xf32>
      %add3A_249 = arith.addf %scan3A_224#2, %select_n3A_248 : vector<16xf32>
      %broadcast_in_dim3A_250 = arith.constant true
      %broadcast_in_dim3A_251 = vector.broadcast %broadcast_in_dim3A_250 : i1 to vector<16xi1>
      %masked_cumsum3A = tpu.scan <sum>, %add3A_240 masked %broadcast_in_dim3A_251 : vector<16xf32>, vector<16xi1> -> vector<16xf32>
      %rev3A_252 = arith.constant 15 : i32
      %rev3A_253 = vector.broadcast %rev3A_252 : i32 to vector<16xi32>
      %rev3A_254 = tpu.iota {dimensions = array<i32: 0>} : vector<16xi32>
      %rev3A_255 = arith.subi %rev3A_253, %rev3A_254 : vector<16xi32>
      %rev3A_256 = tpu.dynamic_gather %masked_cumsum3A[%rev3A_255] in [0] : vector<16xf32>, vector<16xi32> -> vector<16xf32>
      %broadcast_in_dim3A_257 = arith.constant true
      %broadcast_in_dim3A_258 = vector.broadcast %broadcast_in_dim3A_257 : i1 to vector<16xi1>
      %masked_cummax3A_259 = tpu.scan <max>, %rev3A_256 masked %broadcast_in_dim3A_258 : vector<16xf32>, vector<16xi1> -> vector<16xf32>
      %broadcast_in_dim3A_260 = arith.constant true
      %broadcast_in_dim3A_261 = vector.broadcast %broadcast_in_dim3A_260 : i1 to vector<16xi1>
      %masked_cumsum3A_262 = tpu.scan <sum>, %add3A_244 masked %broadcast_in_dim3A_261 : vector<16xf32>, vector<16xi1> -> vector<16xf32>
      %rev3A_263 = arith.constant 15 : i32
      %rev3A_264 = vector.broadcast %rev3A_263 : i32 to vector<16xi32>
      %rev3A_265 = tpu.iota {dimensions = array<i32: 0>} : vector<16xi32>
      %rev3A_266 = arith.subi %rev3A_264, %rev3A_265 : vector<16xi32>
      %rev3A_267 = tpu.dynamic_gather %masked_cumsum3A_262[%rev3A_266] in [0] : vector<16xf32>, vector<16xi32> -> vector<16xf32>
      %broadcast_in_dim3A_268 = arith.constant true
      %broadcast_in_dim3A_269 = vector.broadcast %broadcast_in_dim3A_268 : i1 to vector<16xi1>
      %masked_cummax3A_270 = tpu.scan <max>, %rev3A_267 masked %broadcast_in_dim3A_269 : vector<16xf32>, vector<16xi1> -> vector<16xf32>
      %sub3A = arith.constant 8.000000e+03 : f32
      %sub3A_271 = vector.broadcast %sub3A : f32 to vector<16xf32>
      %sub3A_272 = arith.subf %masked_cummax3A_270, %sub3A_271 : vector<16xf32>
      %broadcast_in_dim3A_273 = arith.constant true
      %broadcast_in_dim3A_274 = vector.broadcast %broadcast_in_dim3A_273 : i1 to vector<16xi1>
      %masked_cumsum3A_275 = tpu.scan <sum>, %add3A_249 masked %broadcast_in_dim3A_274 : vector<16xf32>, vector<16xi1> -> vector<16xf32>
      %rev3A_276 = arith.constant 15 : i32
      %rev3A_277 = vector.broadcast %rev3A_276 : i32 to vector<16xi32>
      %rev3A_278 = tpu.iota {dimensions = array<i32: 0>} : vector<16xi32>
      %rev3A_279 = arith.subi %rev3A_277, %rev3A_278 : vector<16xi32>
      %rev3A_280 = tpu.dynamic_gather %masked_cumsum3A_275[%rev3A_279] in [0] : vector<16xf32>, vector<16xi32> -> vector<16xf32>
      %broadcast_in_dim3A_281 = arith.constant true
      %broadcast_in_dim3A_282 = vector.broadcast %broadcast_in_dim3A_281 : i1 to vector<16xi1>
      %masked_cummax3A_283 = tpu.scan <max>, %rev3A_280 masked %broadcast_in_dim3A_282 : vector<16xf32>, vector<16xi1> -> vector<16xf32>
      %sub3A_284 = arith.constant 8.000000e+00 : f32
      %sub3A_285 = vector.broadcast %sub3A_284 : f32 to vector<16xf32>
      %sub3A_286 = arith.subf %masked_cummax3A_283, %sub3A_285 : vector<16xf32>
      %select_n3A_287 = arith.select %eq3A_201, %masked_cummax3A_259, %scan3A_199 : vector<16xi1>, vector<16xf32>
      %mul3A_288 = arith.constant 1.001001E-4 : f32
      %mul3A_289 = vector.broadcast %mul3A_288 : f32 to vector<16xf32>
      %mul3A_290 = arith.mulf %mul3A_289, %sub3A_272 : vector<16xf32>
      %mul3A_291 = arith.constant 0.899899899 : f32
      %mul3A_292 = vector.broadcast %mul3A_291 : f32 to vector<16xf32>
      %mul3A_293 = arith.mulf %mul3A_292, %sub3A_286 : vector<16xf32>
      %add3A_294 = arith.addf %mul3A_290, %mul3A_293 : vector<16xf32>
      %select_n3A_295 = arith.select %eq3A_201, %add3A_294, %scan3A_200 : vector<16xi1>, vector<16xf32>
      scf.yield %select_n3A_287, %select_n3A_295 : vector<16xf32>, vector<16xf32>
    }
    %scan3A_147 = arith.constant 16 : i32
    %swap3A_148 = arith.constant 80 : index
    %swap3A_149 = tpu.vector_load %arg9[%swap3A_148] {strides = array<i32>} : memref<128xf32, #tpu.memory_space<vmem>>, vector<16xf32>,
    tpu.vector_store %arg9[%swap3A_148], %scan3A_146#0 {strides = array<i32>} : memref<128xf32, #tpu.memory_space<vmem>>, vector<16xf32>,
    %swap3A_150 = arith.constant 80 : index
    %swap3A_151 = tpu.vector_load %arg10[%swap3A_150] {strides = array<i32>} : memref<128xf32, #tpu.memory_space<vmem>>, vector<16xf32>,
    tpu.vector_store %arg10[%swap3A_150], %scan3A_146#1 {strides = array<i32>} : memref<128xf32, #tpu.memory_space<vmem>>, vector<16xf32>,
    %add3A_152 = arith.constant 112 : i32
    %add3A_153 = arith.addi %add3A_4, %add3A_152 : i32
    %dma_start3A_154 = arith.constant 0 : i32
    %dma_start3A_155 = tpu.memref_slice %arg2[%add3A_153, %dma_start3A_154] : memref<16384x1000xf32, #tpu.memory_space<hbm>> -> memref<16x1000xf32, #tpu.memory_space<hbm>>
    %dma_start3A_156 = arith.constant 0 : i32
    %dma_start3A_157 = tpu.memref_slice %arg2[%add3A_153, %dma_start3A_156] : memref<16384x1000xf32, #tpu.memory_space<hbm>> -> memref<16x1000xf32, #tpu.memory_space<hbm>>
    tpu.enqueue_dma source(%dma_start3A_157 : memref<16x1000xf32, #tpu.memory_space<hbm>>) target(%arg7 : memref<16x1000xf32, #tpu.memory_space<vmem>>) target_semaphore(%arg12 : memref<!tpu.dma_semaphore, #tpu.memory_space<semaphore_mem>>)
    %dma_wait3A_158 = arith.constant 0 : i32
    %dma_wait3A_159 = tpu.memref_slice %arg2[%add3A_129, %dma_wait3A_158] : memref<16384x1000xf32, #tpu.memory_space<hbm>> -> memref<16x1000xf32, #tpu.memory_space<hbm>>
    %dma_wait3A_160 = arith.constant 0 : i32
    %dma_wait3A_161 = tpu.memref_slice %arg2[%add3A_129, %dma_wait3A_160] : memref<16384x1000xf32, #tpu.memory_space<hbm>> -> memref<16x1000xf32, #tpu.memory_space<hbm>>
    tpu.wait_dma2 semaphore(%arg11 : memref<!tpu.dma_semaphore, #tpu.memory_space<semaphore_mem>>) src(%dma_wait3A_161 : memref<16x1000xf32, #tpu.memory_space<hbm>>) dst(%arg6 : memref<16x1000xf32, #tpu.memory_space<vmem>>)
    %get3A_162 = arith.constant 96 : index
    %get3A_163 = tpu.vector_load %arg8[%get3A_162] {strides = array<i32>} : memref<128xi32, #tpu.memory_space<vmem>>, vector<16xi32>,
    %broadcast_in_dim3A_164 = arith.constant 0.000000e+00 : f32
    %broadcast_in_dim3A_165 = vector.broadcast %broadcast_in_dim3A_164 : f32 to vector<16xf32>
    %scan3A_166 = arith.constant 0 : i32
    %scan3A_167 = arith.constant 16 : i32
    %scan3A_168 = arith.addi %scan3A_166, %scan3A_167 : i32
    %scan3A_169 = arith.constant 1 : i32
    %scan3A_170:2 = scf.for %scan3A_198 = %scan3A_166 to %scan3A_168 step %scan3A_169 iter_args(%scan3A_199 = %broadcast_in_dim3A_165, %scan3A_200 = %broadcast_in_dim3A_165) -> (vector<16xf32>, vector<16xf32>)  : i32 {
      %eq3A = vector.broadcast %scan3A_198 : i32 to vector<16xi32>
      %eq3A_201 = arith.cmpi eq, %iota3A, %eq3A : vector<16xi32>
      %jit3A = arith.constant 0 : i32
      %broadcast_in_dim3A_202 = vector.broadcast %jit3A : i32 to vector<16xi32>
      %select_n3A = arith.select %eq3A_201, %get3A_163, %broadcast_in_dim3A_202 : vector<16xi1>, vector<16xi32>
      %broadcast_in_dim3A_203 = arith.constant true
      %broadcast_in_dim3A_204 = vector.broadcast %broadcast_in_dim3A_203 : i1 to vector<16xi1>
      %masked_cummax3A = arith.constant -2147483648 : i32
      %masked_cummax3A_205 = vector.broadcast %masked_cummax3A : i32 to vector<16xi32>
      %masked_cummax3A_206 = arith.xori %select_n3A, %masked_cummax3A_205 : vector<16xi32>
      %masked_cummax3A_207 = tpu.scan <max>, %masked_cummax3A_206 masked %broadcast_in_dim3A_204 : vector<16xi32>, vector<16xi1> -> vector<16xi32>
      %masked_cummax3A_208 = arith.xori %masked_cummax3A_207, %masked_cummax3A_205 : vector<16xi32>
      %rev3A = arith.constant 15 : i32
      %rev3A_209 = vector.broadcast %rev3A : i32 to vector<16xi32>
      %rev3A_210 = tpu.iota {dimensions = array<i32: 0>} : vector<16xi32>
      %rev3A_211 = arith.subi %rev3A_209, %rev3A_210 : vector<16xi32>
      %rev3A_212 = tpu.dynamic_gather %masked_cummax3A_208[%rev3A_211] in [0] : vector<16xi32>, vector<16xi32> -> vector<16xi32>
      %broadcast_in_dim3A_213 = arith.constant true
      %broadcast_in_dim3A_214 = vector.broadcast %broadcast_in_dim3A_213 : i1 to vector<16xi1>
      %masked_cummax3A_215 = arith.constant -2147483648 : i32
      %masked_cummax3A_216 = vector.broadcast %masked_cummax3A_215 : i32 to vector<16xi32>
      %masked_cummax3A_217 = arith.xori %rev3A_212, %masked_cummax3A_216 : vector<16xi32>
      %masked_cummax3A_218 = tpu.scan <max>, %masked_cummax3A_217 masked %broadcast_in_dim3A_214 : vector<16xi32>, vector<16xi1> -> vector<16xi32>
      %masked_cummax3A_219 = arith.xori %masked_cummax3A_218, %masked_cummax3A_216 : vector<16xi32>
      %scan3A_220 = arith.constant 0 : i32
      %scan3A_221 = arith.constant 62 : i32
      %scan3A_222 = arith.addi %scan3A_220, %scan3A_221 : i32
      %scan3A_223 = arith.constant 1 : i32
      %scan3A_224:4 = scf.for %scan3A_296 = %scan3A_220 to %scan3A_222 step %scan3A_223 iter_args(%scan3A_297 = %broadcast_in_dim3A_165, %scan3A_298 = %broadcast_in_dim3A_165, %scan3A_299 = %broadcast_in_dim3A_165, %scan3A_300 = %iota3A) -> (vector<16xf32>, vector<16xf32>, vector<16xf32>, vector<16xi32>)  : i32 {
        %mul3A_301 = arith.constant 16 : i32
        %mul3A_302 = arith.muli %scan3A_296, %mul3A_301 : i32
        %get3A_303 = arith.index_cast %scan3A_198 : i32 to index
        %get3A_304 = arith.index_cast %mul3A_302 : i32 to index
        %get3A_305 = tpu.vector_load %arg6[%get3A_303, %get3A_304] {strides = array<i32>} : memref<16x1000xf32, #tpu.memory_space<vmem>>, vector<16xf32>,
        %add3A_306 = arith.constant 8.000000e+00 : f32
        %add3A_307 = vector.broadcast %add3A_306 : f32 to vector<16xf32>
        %add3A_308 = arith.addf %get3A_305, %add3A_307 : vector<16xf32>
        %exp3A_309 = math.exp %get3A_305 : vector<16xf32>
        %add3A_310 = arith.addf %scan3A_297, %exp3A_309 : vector<16xf32>
        %add3A_311 = arith.addf %scan3A_298, %add3A_308 : vector<16xf32>
        %eq3A_312 = arith.cmpi eq, %scan3A_300, %masked_cummax3A_219 : vector<16xi32>
        %jit3A_313 = arith.constant 0.000000e+00 : f32
        %broadcast_in_dim3A_314 = vector.broadcast %jit3A_313 : f32 to vector<16xf32>
        %select_n3A_315 = arith.select %eq3A_312, %add3A_308, %broadcast_in_dim3A_314 : vector<16xi1>, vector<16xf32>
        %add3A_316 = arith.addf %scan3A_299, %select_n3A_315 : vector<16xf32>
        %add3A_317 = arith.constant 16 : i32
        %add3A_318 = vector.broadcast %add3A_317 : i32 to vector<16xi32>
        %add3A_319 = arith.addi %scan3A_300, %add3A_318 : vector<16xi32>
        scf.yield %add3A_310, %add3A_311, %add3A_316, %add3A_319 : vector<16xf32>, vector<16xf32>, vector<16xf32>, vector<16xi32>
      }
      %scan3A_225 = arith.constant 62 : i32
      %get3A_226 = arith.index_cast %scan3A_198 : i32 to index
      %get3A_227 = arith.constant 984 : index
      %get3A_228 = tpu.vector_load %arg6[%get3A_226, %get3A_227] {strides = array<i32>} : memref<16x1000xf32, #tpu.memory_space<vmem>>, vector<16xf32>,
      %add3A_229 = arith.constant 984 : i32
      %add3A_230 = vector.broadcast %add3A_229 : i32 to vector<16xi32>
      %add3A_231 = arith.addi %iota3A, %add3A_230 : vector<16xi32>
      %ge3A = arith.constant 992 : i32
      %ge3A_232 = vector.broadcast %ge3A : i32 to vector<16xi32>
      %ge3A_233 = arith.cmpi sge, %add3A_231, %ge3A_232 : vector<16xi32>
      %add3A_234 = arith.constant 8.000000e+00 : f32
      %add3A_235 = vector.broadcast %add3A_234 : f32 to vector<16xf32>
      %add3A_236 = arith.addf %get3A_228, %add3A_235 : vector<16xf32>
      %exp3A = math.exp %get3A_228 : vector<16xf32>
      %jit3A_237 = arith.constant 0.000000e+00 : f32
      %broadcast_in_dim3A_238 = vector.broadcast %jit3A_237 : f32 to vector<16xf32>
      %select_n3A_239 = arith.select %ge3A_233, %exp3A, %broadcast_in_dim3A_238 : vector<16xi1>, vector<16xf32>
      %add3A_240 = arith.addf %scan3A_224#0, %select_n3A_239 : vector<16xf32>
      %jit3A_241 = arith.constant 0.000000e+00 : f32
      %broadcast_in_dim3A_242 = vector.broadcast %jit3A_241 : f32 to vector<16xf32>
      %select_n3A_243 = arith.select %ge3A_233, %add3A_236, %broadcast_in_dim3A_242 : vector<16xi1>, vector<16xf32>
      %add3A_244 = arith.addf %scan3A_224#1, %select_n3A_243 : vector<16xf32>
      %eq3A_245 = arith.cmpi eq, %add3A_231, %masked_cummax3A_219 : vector<16xi32>
      %and3A = arith.andi %ge3A_233, %eq3A_245 : vector<16xi1>
      %jit3A_246 = arith.constant 0.000000e+00 : f32
      %broadcast_in_dim3A_247 = vector.broadcast %jit3A_246 : f32 to vector<16xf32>
      %select_n3A_248 = arith.select %and3A, %add3A_236, %broadcast_in_dim3A_247 : vector<16xi1>, vector<16xf32>
      %add3A_249 = arith.addf %scan3A_224#2, %select_n3A_248 : vector<16xf32>
      %broadcast_in_dim3A_250 = arith.constant true
      %broadcast_in_dim3A_251 = vector.broadcast %broadcast_in_dim3A_250 : i1 to vector<16xi1>
      %masked_cumsum3A = tpu.scan <sum>, %add3A_240 masked %broadcast_in_dim3A_251 : vector<16xf32>, vector<16xi1> -> vector<16xf32>
      %rev3A_252 = arith.constant 15 : i32
      %rev3A_253 = vector.broadcast %rev3A_252 : i32 to vector<16xi32>
      %rev3A_254 = tpu.iota {dimensions = array<i32: 0>} : vector<16xi32>
      %rev3A_255 = arith.subi %rev3A_253, %rev3A_254 : vector<16xi32>
      %rev3A_256 = tpu.dynamic_gather %masked_cumsum3A[%rev3A_255] in [0] : vector<16xf32>, vector<16xi32> -> vector<16xf32>
      %broadcast_in_dim3A_257 = arith.constant true
      %broadcast_in_dim3A_258 = vector.broadcast %broadcast_in_dim3A_257 : i1 to vector<16xi1>
      %masked_cummax3A_259 = tpu.scan <max>, %rev3A_256 masked %broadcast_in_dim3A_258 : vector<16xf32>, vector<16xi1> -> vector<16xf32>
      %broadcast_in_dim3A_260 = arith.constant true
      %broadcast_in_dim3A_261 = vector.broadcast %broadcast_in_dim3A_260 : i1 to vector<16xi1>
      %masked_cumsum3A_262 = tpu.scan <sum>, %add3A_244 masked %broadcast_in_dim3A_261 : vector<16xf32>, vector<16xi1> -> vector<16xf32>
      %rev3A_263 = arith.constant 15 : i32
      %rev3A_264 = vector.broadcast %rev3A_263 : i32 to vector<16xi32>
      %rev3A_265 = tpu.iota {dimensions = array<i32: 0>} : vector<16xi32>
      %rev3A_266 = arith.subi %rev3A_264, %rev3A_265 : vector<16xi32>
      %rev3A_267 = tpu.dynamic_gather %masked_cumsum3A_262[%rev3A_266] in [0] : vector<16xf32>, vector<16xi32> -> vector<16xf32>
      %broadcast_in_dim3A_268 = arith.constant true
      %broadcast_in_dim3A_269 = vector.broadcast %broadcast_in_dim3A_268 : i1 to vector<16xi1>
      %masked_cummax3A_270 = tpu.scan <max>, %rev3A_267 masked %broadcast_in_dim3A_269 : vector<16xf32>, vector<16xi1> -> vector<16xf32>
      %sub3A = arith.constant 8.000000e+03 : f32
      %sub3A_271 = vector.broadcast %sub3A : f32 to vector<16xf32>
      %sub3A_272 = arith.subf %masked_cummax3A_270, %sub3A_271 : vector<16xf32>
      %broadcast_in_dim3A_273 = arith.constant true
      %broadcast_in_dim3A_274 = vector.broadcast %broadcast_in_dim3A_273 : i1 to vector<16xi1>
      %masked_cumsum3A_275 = tpu.scan <sum>, %add3A_249 masked %broadcast_in_dim3A_274 : vector<16xf32>, vector<16xi1> -> vector<16xf32>
      %rev3A_276 = arith.constant 15 : i32
      %rev3A_277 = vector.broadcast %rev3A_276 : i32 to vector<16xi32>
      %rev3A_278 = tpu.iota {dimensions = array<i32: 0>} : vector<16xi32>
      %rev3A_279 = arith.subi %rev3A_277, %rev3A_278 : vector<16xi32>
      %rev3A_280 = tpu.dynamic_gather %masked_cumsum3A_275[%rev3A_279] in [0] : vector<16xf32>, vector<16xi32> -> vector<16xf32>
      %broadcast_in_dim3A_281 = arith.constant true
      %broadcast_in_dim3A_282 = vector.broadcast %broadcast_in_dim3A_281 : i1 to vector<16xi1>
      %masked_cummax3A_283 = tpu.scan <max>, %rev3A_280 masked %broadcast_in_dim3A_282 : vector<16xf32>, vector<16xi1> -> vector<16xf32>
      %sub3A_284 = arith.constant 8.000000e+00 : f32
      %sub3A_285 = vector.broadcast %sub3A_284 : f32 to vector<16xf32>
      %sub3A_286 = arith.subf %masked_cummax3A_283, %sub3A_285 : vector<16xf32>
      %select_n3A_287 = arith.select %eq3A_201, %masked_cummax3A_259, %scan3A_199 : vector<16xi1>, vector<16xf32>
      %mul3A_288 = arith.constant 1.001001E-4 : f32
      %mul3A_289 = vector.broadcast %mul3A_288 : f32 to vector<16xf32>
      %mul3A_290 = arith.mulf %mul3A_289, %sub3A_272 : vector<16xf32>
      %mul3A_291 = arith.constant 0.899899899 : f32
      %mul3A_292 = vector.broadcast %mul3A_291 : f32 to vector<16xf32>
      %mul3A_293 = arith.mulf %mul3A_292, %sub3A_286 : vector<16xf32>
      %add3A_294 = arith.addf %mul3A_290, %mul3A_293 : vector<16xf32>
      %select_n3A_295 = arith.select %eq3A_201, %add3A_294, %scan3A_200 : vector<16xi1>, vector<16xf32>
      scf.yield %select_n3A_287, %select_n3A_295 : vector<16xf32>, vector<16xf32>
    }
    %scan3A_171 = arith.constant 16 : i32
    %swap3A_172 = arith.constant 96 : index
    %swap3A_173 = tpu.vector_load %arg9[%swap3A_172] {strides = array<i32>} : memref<128xf32, #tpu.memory_space<vmem>>, vector<16xf32>,
    tpu.vector_store %arg9[%swap3A_172], %scan3A_170#0 {strides = array<i32>} : memref<128xf32, #tpu.memory_space<vmem>>, vector<16xf32>,
    %swap3A_174 = arith.constant 96 : index
    %swap3A_175 = tpu.vector_load %arg10[%swap3A_174] {strides = array<i32>} : memref<128xf32, #tpu.memory_space<vmem>>, vector<16xf32>,
    tpu.vector_store %arg10[%swap3A_174], %scan3A_170#1 {strides = array<i32>} : memref<128xf32, #tpu.memory_space<vmem>>, vector<16xf32>,
    %dma_wait3A_176 = arith.constant 0 : i32
    %dma_wait3A_177 = tpu.memref_slice %arg2[%add3A_153, %dma_wait3A_176] : memref<16384x1000xf32, #tpu.memory_space<hbm>> -> memref<16x1000xf32, #tpu.memory_space<hbm>>
    %dma_wait3A_178 = arith.constant 0 : i32
    %dma_wait3A_179 = tpu.memref_slice %arg2[%add3A_153, %dma_wait3A_178] : memref<16384x1000xf32, #tpu.memory_space<hbm>> -> memref<16x1000xf32, #tpu.memory_space<hbm>>
    tpu.wait_dma2 semaphore(%arg12 : memref<!tpu.dma_semaphore, #tpu.memory_space<semaphore_mem>>) src(%dma_wait3A_179 : memref<16x1000xf32, #tpu.memory_space<hbm>>) dst(%arg7 : memref<16x1000xf32, #tpu.memory_space<vmem>>)
    %get3A_180 = arith.constant 112 : index
    %get3A_181 = tpu.vector_load %arg8[%get3A_180] {strides = array<i32>} : memref<128xi32, #tpu.memory_space<vmem>>, vector<16xi32>,
    %broadcast_in_dim3A_182 = arith.constant 0.000000e+00 : f32
    %broadcast_in_dim3A_183 = vector.broadcast %broadcast_in_dim3A_182 : f32 to vector<16xf32>
    %scan3A_184 = arith.constant 0 : i32
    %scan3A_185 = arith.constant 16 : i32
    %scan3A_186 = arith.addi %scan3A_184, %scan3A_185 : i32
    %scan3A_187 = arith.constant 1 : i32
    %scan3A_188:2 = scf.for %scan3A_198 = %scan3A_184 to %scan3A_186 step %scan3A_187 iter_args(%scan3A_199 = %broadcast_in_dim3A_183, %scan3A_200 = %broadcast_in_dim3A_183) -> (vector<16xf32>, vector<16xf32>)  : i32 {
      %eq3A = vector.broadcast %scan3A_198 : i32 to vector<16xi32>
      %eq3A_201 = arith.cmpi eq, %iota3A, %eq3A : vector<16xi32>
      %jit3A = arith.constant 0 : i32
      %broadcast_in_dim3A_202 = vector.broadcast %jit3A : i32 to vector<16xi32>
      %select_n3A = arith.select %eq3A_201, %get3A_181, %broadcast_in_dim3A_202 : vector<16xi1>, vector<16xi32>
      %broadcast_in_dim3A_203 = arith.constant true
      %broadcast_in_dim3A_204 = vector.broadcast %broadcast_in_dim3A_203 : i1 to vector<16xi1>
      %masked_cummax3A = arith.constant -2147483648 : i32
      %masked_cummax3A_205 = vector.broadcast %masked_cummax3A : i32 to vector<16xi32>
      %masked_cummax3A_206 = arith.xori %select_n3A, %masked_cummax3A_205 : vector<16xi32>
      %masked_cummax3A_207 = tpu.scan <max>, %masked_cummax3A_206 masked %broadcast_in_dim3A_204 : vector<16xi32>, vector<16xi1> -> vector<16xi32>
      %masked_cummax3A_208 = arith.xori %masked_cummax3A_207, %masked_cummax3A_205 : vector<16xi32>
      %rev3A = arith.constant 15 : i32
      %rev3A_209 = vector.broadcast %rev3A : i32 to vector<16xi32>
      %rev3A_210 = tpu.iota {dimensions = array<i32: 0>} : vector<16xi32>
      %rev3A_211 = arith.subi %rev3A_209, %rev3A_210 : vector<16xi32>
      %rev3A_212 = tpu.dynamic_gather %masked_cummax3A_208[%rev3A_211] in [0] : vector<16xi32>, vector<16xi32> -> vector<16xi32>
      %broadcast_in_dim3A_213 = arith.constant true
      %broadcast_in_dim3A_214 = vector.broadcast %broadcast_in_dim3A_213 : i1 to vector<16xi1>
      %masked_cummax3A_215 = arith.constant -2147483648 : i32
      %masked_cummax3A_216 = vector.broadcast %masked_cummax3A_215 : i32 to vector<16xi32>
      %masked_cummax3A_217 = arith.xori %rev3A_212, %masked_cummax3A_216 : vector<16xi32>
      %masked_cummax3A_218 = tpu.scan <max>, %masked_cummax3A_217 masked %broadcast_in_dim3A_214 : vector<16xi32>, vector<16xi1> -> vector<16xi32>
      %masked_cummax3A_219 = arith.xori %masked_cummax3A_218, %masked_cummax3A_216 : vector<16xi32>
      %scan3A_220 = arith.constant 0 : i32
      %scan3A_221 = arith.constant 62 : i32
      %scan3A_222 = arith.addi %scan3A_220, %scan3A_221 : i32
      %scan3A_223 = arith.constant 1 : i32
      %scan3A_224:4 = scf.for %scan3A_296 = %scan3A_220 to %scan3A_222 step %scan3A_223 iter_args(%scan3A_297 = %broadcast_in_dim3A_183, %scan3A_298 = %broadcast_in_dim3A_183, %scan3A_299 = %broadcast_in_dim3A_183, %scan3A_300 = %iota3A) -> (vector<16xf32>, vector<16xf32>, vector<16xf32>, vector<16xi32>)  : i32 {
        %mul3A_301 = arith.constant 16 : i32
        %mul3A_302 = arith.muli %scan3A_296, %mul3A_301 : i32
        %get3A_303 = arith.index_cast %scan3A_198 : i32 to index
        %get3A_304 = arith.index_cast %mul3A_302 : i32 to index
        %get3A_305 = tpu.vector_load %arg7[%get3A_303, %get3A_304] {strides = array<i32>} : memref<16x1000xf32, #tpu.memory_space<vmem>>, vector<16xf32>,
        %add3A_306 = arith.constant 8.000000e+00 : f32
        %add3A_307 = vector.broadcast %add3A_306 : f32 to vector<16xf32>
        %add3A_308 = arith.addf %get3A_305, %add3A_307 : vector<16xf32>
        %exp3A_309 = math.exp %get3A_305 : vector<16xf32>
        %add3A_310 = arith.addf %scan3A_297, %exp3A_309 : vector<16xf32>
        %add3A_311 = arith.addf %scan3A_298, %add3A_308 : vector<16xf32>
        %eq3A_312 = arith.cmpi eq, %scan3A_300, %masked_cummax3A_219 : vector<16xi32>
        %jit3A_313 = arith.constant 0.000000e+00 : f32
        %broadcast_in_dim3A_314 = vector.broadcast %jit3A_313 : f32 to vector<16xf32>
        %select_n3A_315 = arith.select %eq3A_312, %add3A_308, %broadcast_in_dim3A_314 : vector<16xi1>, vector<16xf32>
        %add3A_316 = arith.addf %scan3A_299, %select_n3A_315 : vector<16xf32>
        %add3A_317 = arith.constant 16 : i32
        %add3A_318 = vector.broadcast %add3A_317 : i32 to vector<16xi32>
        %add3A_319 = arith.addi %scan3A_300, %add3A_318 : vector<16xi32>
        scf.yield %add3A_310, %add3A_311, %add3A_316, %add3A_319 : vector<16xf32>, vector<16xf32>, vector<16xf32>, vector<16xi32>
      }
      %scan3A_225 = arith.constant 62 : i32
      %get3A_226 = arith.index_cast %scan3A_198 : i32 to index
      %get3A_227 = arith.constant 984 : index
      %get3A_228 = tpu.vector_load %arg7[%get3A_226, %get3A_227] {strides = array<i32>} : memref<16x1000xf32, #tpu.memory_space<vmem>>, vector<16xf32>,
      %add3A_229 = arith.constant 984 : i32
      %add3A_230 = vector.broadcast %add3A_229 : i32 to vector<16xi32>
      %add3A_231 = arith.addi %iota3A, %add3A_230 : vector<16xi32>
      %ge3A = arith.constant 992 : i32
      %ge3A_232 = vector.broadcast %ge3A : i32 to vector<16xi32>
      %ge3A_233 = arith.cmpi sge, %add3A_231, %ge3A_232 : vector<16xi32>
      %add3A_234 = arith.constant 8.000000e+00 : f32
      %add3A_235 = vector.broadcast %add3A_234 : f32 to vector<16xf32>
      %add3A_236 = arith.addf %get3A_228, %add3A_235 : vector<16xf32>
      %exp3A = math.exp %get3A_228 : vector<16xf32>
      %jit3A_237 = arith.constant 0.000000e+00 : f32
      %broadcast_in_dim3A_238 = vector.broadcast %jit3A_237 : f32 to vector<16xf32>
      %select_n3A_239 = arith.select %ge3A_233, %exp3A, %broadcast_in_dim3A_238 : vector<16xi1>, vector<16xf32>
      %add3A_240 = arith.addf %scan3A_224#0, %select_n3A_239 : vector<16xf32>
      %jit3A_241 = arith.constant 0.000000e+00 : f32
      %broadcast_in_dim3A_242 = vector.broadcast %jit3A_241 : f32 to vector<16xf32>
      %select_n3A_243 = arith.select %ge3A_233, %add3A_236, %broadcast_in_dim3A_242 : vector<16xi1>, vector<16xf32>
      %add3A_244 = arith.addf %scan3A_224#1, %select_n3A_243 : vector<16xf32>
      %eq3A_245 = arith.cmpi eq, %add3A_231, %masked_cummax3A_219 : vector<16xi32>
      %and3A = arith.andi %ge3A_233, %eq3A_245 : vector<16xi1>
      %jit3A_246 = arith.constant 0.000000e+00 : f32
      %broadcast_in_dim3A_247 = vector.broadcast %jit3A_246 : f32 to vector<16xf32>
      %select_n3A_248 = arith.select %and3A, %add3A_236, %broadcast_in_dim3A_247 : vector<16xi1>, vector<16xf32>
      %add3A_249 = arith.addf %scan3A_224#2, %select_n3A_248 : vector<16xf32>
      %broadcast_in_dim3A_250 = arith.constant true
      %broadcast_in_dim3A_251 = vector.broadcast %broadcast_in_dim3A_250 : i1 to vector<16xi1>
      %masked_cumsum3A = tpu.scan <sum>, %add3A_240 masked %broadcast_in_dim3A_251 : vector<16xf32>, vector<16xi1> -> vector<16xf32>
      %rev3A_252 = arith.constant 15 : i32
      %rev3A_253 = vector.broadcast %rev3A_252 : i32 to vector<16xi32>
      %rev3A_254 = tpu.iota {dimensions = array<i32: 0>} : vector<16xi32>
      %rev3A_255 = arith.subi %rev3A_253, %rev3A_254 : vector<16xi32>
      %rev3A_256 = tpu.dynamic_gather %masked_cumsum3A[%rev3A_255] in [0] : vector<16xf32>, vector<16xi32> -> vector<16xf32>
      %broadcast_in_dim3A_257 = arith.constant true
      %broadcast_in_dim3A_258 = vector.broadcast %broadcast_in_dim3A_257 : i1 to vector<16xi1>
      %masked_cummax3A_259 = tpu.scan <max>, %rev3A_256 masked %broadcast_in_dim3A_258 : vector<16xf32>, vector<16xi1> -> vector<16xf32>
      %broadcast_in_dim3A_260 = arith.constant true
      %broadcast_in_dim3A_261 = vector.broadcast %broadcast_in_dim3A_260 : i1 to vector<16xi1>
      %masked_cumsum3A_262 = tpu.scan <sum>, %add3A_244 masked %broadcast_in_dim3A_261 : vector<16xf32>, vector<16xi1> -> vector<16xf32>
      %rev3A_263 = arith.constant 15 : i32
      %rev3A_264 = vector.broadcast %rev3A_263 : i32 to vector<16xi32>
      %rev3A_265 = tpu.iota {dimensions = array<i32: 0>} : vector<16xi32>
      %rev3A_266 = arith.subi %rev3A_264, %rev3A_265 : vector<16xi32>
      %rev3A_267 = tpu.dynamic_gather %masked_cumsum3A_262[%rev3A_266] in [0] : vector<16xf32>, vector<16xi32> -> vector<16xf32>
      %broadcast_in_dim3A_268 = arith.constant true
      %broadcast_in_dim3A_269 = vector.broadcast %broadcast_in_dim3A_268 : i1 to vector<16xi1>
      %masked_cummax3A_270 = tpu.scan <max>, %rev3A_267 masked %broadcast_in_dim3A_269 : vector<16xf32>, vector<16xi1> -> vector<16xf32>
      %sub3A = arith.constant 8.000000e+03 : f32
      %sub3A_271 = vector.broadcast %sub3A : f32 to vector<16xf32>
      %sub3A_272 = arith.subf %masked_cummax3A_270, %sub3A_271 : vector<16xf32>
      %broadcast_in_dim3A_273 = arith.constant true
      %broadcast_in_dim3A_274 = vector.broadcast %broadcast_in_dim3A_273 : i1 to vector<16xi1>
      %masked_cumsum3A_275 = tpu.scan <sum>, %add3A_249 masked %broadcast_in_dim3A_274 : vector<16xf32>, vector<16xi1> -> vector<16xf32>
      %rev3A_276 = arith.constant 15 : i32
      %rev3A_277 = vector.broadcast %rev3A_276 : i32 to vector<16xi32>
      %rev3A_278 = tpu.iota {dimensions = array<i32: 0>} : vector<16xi32>
      %rev3A_279 = arith.subi %rev3A_277, %rev3A_278 : vector<16xi32>
      %rev3A_280 = tpu.dynamic_gather %masked_cumsum3A_275[%rev3A_279] in [0] : vector<16xf32>, vector<16xi32> -> vector<16xf32>
      %broadcast_in_dim3A_281 = arith.constant true
      %broadcast_in_dim3A_282 = vector.broadcast %broadcast_in_dim3A_281 : i1 to vector<16xi1>
      %masked_cummax3A_283 = tpu.scan <max>, %rev3A_280 masked %broadcast_in_dim3A_282 : vector<16xf32>, vector<16xi1> -> vector<16xf32>
      %sub3A_284 = arith.constant 8.000000e+00 : f32
      %sub3A_285 = vector.broadcast %sub3A_284 : f32 to vector<16xf32>
      %sub3A_286 = arith.subf %masked_cummax3A_283, %sub3A_285 : vector<16xf32>
      %select_n3A_287 = arith.select %eq3A_201, %masked_cummax3A_259, %scan3A_199 : vector<16xi1>, vector<16xf32>
      %mul3A_288 = arith.constant 1.001001E-4 : f32
      %mul3A_289 = vector.broadcast %mul3A_288 : f32 to vector<16xf32>
      %mul3A_290 = arith.mulf %mul3A_289, %sub3A_272 : vector<16xf32>
      %mul3A_291 = arith.constant 0.899899899 : f32
      %mul3A_292 = vector.broadcast %mul3A_291 : f32 to vector<16xf32>
      %mul3A_293 = arith.mulf %mul3A_292, %sub3A_286 : vector<16xf32>
      %add3A_294 = arith.addf %mul3A_290, %mul3A_293 : vector<16xf32>
      %select_n3A_295 = arith.select %eq3A_201, %add3A_294, %scan3A_200 : vector<16xi1>, vector<16xf32>
      scf.yield %select_n3A_287, %select_n3A_295 : vector<16xf32>, vector<16xf32>
    }
    %scan3A_189 = arith.constant 16 : i32
    %swap3A_190 = arith.constant 112 : index
    %swap3A_191 = tpu.vector_load %arg9[%swap3A_190] {strides = array<i32>} : memref<128xf32, #tpu.memory_space<vmem>>, vector<16xf32>,
    tpu.vector_store %arg9[%swap3A_190], %scan3A_188#0 {strides = array<i32>} : memref<128xf32, #tpu.memory_space<vmem>>, vector<16xf32>,
    %swap3A_192 = arith.constant 112 : index
    %swap3A_193 = tpu.vector_load %arg10[%swap3A_192] {strides = array<i32>} : memref<128xf32, #tpu.memory_space<vmem>>, vector<16xf32>,
    tpu.vector_store %arg10[%swap3A_192], %scan3A_188#1 {strides = array<i32>} : memref<128xf32, #tpu.memory_space<vmem>>, vector<16xf32>,
    %mul3A_194 = arith.constant 128 : i32
    %mul3A_195 = arith.muli %add3A, %mul3A_194 : i32
    "tpu.region"() ({
      %run_scoped3A = tpu.sem_alloc : memref<!tpu.dma_semaphore, #tpu.memory_space<semaphore_mem>>
      %dma_start3A_198 = tpu.memref_slice %arg4[%mul3A_195] : memref<4096xf32, #tpu.memory_space<hbm>> -> memref<128xf32, #tpu.memory_space<hbm>>
      %dma_start3A_199 = tpu.memref_slice %arg4[%mul3A_195] : memref<4096xf32, #tpu.memory_space<hbm>> -> memref<128xf32, #tpu.memory_space<hbm>>
      tpu.enqueue_dma source(%arg9 : memref<128xf32, #tpu.memory_space<vmem>>) target(%dma_start3A_199 : memref<128xf32, #tpu.memory_space<hbm>>) target_semaphore(%run_scoped3A : memref<!tpu.dma_semaphore, #tpu.memory_space<semaphore_mem>>)
      %dma_wait3A_200 = tpu.memref_slice %arg4[%mul3A_195] : memref<4096xf32, #tpu.memory_space<hbm>> -> memref<128xf32, #tpu.memory_space<hbm>>
      %dma_wait3A_201 = tpu.memref_slice %arg4[%mul3A_195] : memref<4096xf32, #tpu.memory_space<hbm>> -> memref<128xf32, #tpu.memory_space<hbm>>
      tpu.wait_dma2 semaphore(%run_scoped3A : memref<!tpu.dma_semaphore, #tpu.memory_space<semaphore_mem>>) src(%arg9 : memref<128xf32, #tpu.memory_space<vmem>>) dst(%dma_wait3A_201 : memref<128xf32, #tpu.memory_space<hbm>>)
      tpu.yield
    }) : () -> ()
    %mul3A_196 = arith.constant 128 : i32
    %mul3A_197 = arith.muli %add3A, %mul3A_196 : i32
    "tpu.region"() ({
      %run_scoped3A = tpu.sem_alloc : memref<!tpu.dma_semaphore, #tpu.memory_space<semaphore_mem>>
      %dma_start3A_198 = tpu.memref_slice %arg5[%mul3A_197] : memref<4096xf32, #tpu.memory_space<hbm>> -> memref<128xf32, #tpu.memory_space<hbm>>
      %dma_start3A_199 = tpu.memref_slice %arg5[%mul3A_197] : memref<4096xf32, #tpu.memory_space<hbm>> -> memref<128xf32, #tpu.memory_space<hbm>>
      tpu.enqueue_dma source(%arg10 : memref<128xf32, #tpu.memory_space<vmem>>) target(%dma_start3A_199 : memref<128xf32, #tpu.memory_space<hbm>>) target_semaphore(%run_scoped3A : memref<!tpu.dma_semaphore, #tpu.memory_space<semaphore_mem>>)
      %dma_wait3A_200 = tpu.memref_slice %arg5[%mul3A_197] : memref<4096xf32, #tpu.memory_space<hbm>> -> memref<128xf32, #tpu.memory_space<hbm>>
      %dma_wait3A_201 = tpu.memref_slice %arg5[%mul3A_197] : memref<4096xf32, #tpu.memory_space<hbm>> -> memref<128xf32, #tpu.memory_space<hbm>>
      tpu.wait_dma2 semaphore(%run_scoped3A : memref<!tpu.dma_semaphore, #tpu.memory_space<semaphore_mem>>) src(%arg10 : memref<128xf32, #tpu.memory_space<vmem>>) dst(%dma_wait3A_201 : memref<128xf32, #tpu.memory_space<hbm>>)
      tpu.yield
    }) : () -> ()
    return
  }
}

module attributes {stable_mosaic.version = 14 : i64} {
  func.func @_topk_merge_kernel(%arg0: memref<96x128xf32, #tpu.memory_space<vmem>>, %arg1: memref<32x128xf32, #tpu.memory_space<vmem>>, %arg2: memref<32x128xf32, #tpu.memory_space<vmem>>, %arg3: memref<1x1xf32, #tpu.memory_space<vmem>>) attributes {dimension_semantics = [], scalar_prefetch = 0 : i64, scratch_operands = 0 : i64, tpu.core_type = #tpu.core_type<tc>} {
    %get3A = arith.constant 0 : index
    %get3A_0 = arith.constant 0 : index
    %get3A_1 = vector.load %arg1[%get3A, %get3A_0] : memref<32x128xf32, #tpu.memory_space<vmem>>, vector<32x128xf32>
    %log3A = math.log %get3A_1 : vector<32x128xf32>
    %get3A_2 = arith.constant 0 : index
    %get3A_3 = arith.constant 0 : index
    %get3A_4 = vector.load %arg2[%get3A_2, %get3A_3] : memref<32x128xf32, #tpu.memory_space<vmem>>, vector<32x128xf32>
    %sub3A = arith.subf %log3A, %get3A_4 : vector<32x128xf32>
    %get3A_5 = arith.constant 0 : index
    %get3A_6 = arith.constant 0 : index
    %get3A_7 = vector.load %arg0[%get3A_5, %get3A_6] : memref<96x128xf32, #tpu.memory_space<vmem>>, vector<96x128xf32>
    %concatenate3A = tpu.concatenate %get3A_7, %sub3A in 0 : vector<96x128xf32>, vector<32x128xf32> -> vector<128x128xf32>
    %bitcast_convert_type3A = tpu.bitcast %concatenate3A : vector<128x128xf32> -> vector<128x128xi32>
    %shift_right_arithmetic3A = arith.constant 31 : i32
    %shift_right_arithmetic3A_8 = vector.broadcast %shift_right_arithmetic3A : i32 to vector<128x128xi32>
    %shift_right_arithmetic3A_9 = arith.shrsi %bitcast_convert_type3A, %shift_right_arithmetic3A_8 : vector<128x128xi32>
    %and3A = arith.constant 2147483647 : i32
    %and3A_10 = vector.broadcast %and3A : i32 to vector<128x128xi32>
    %and3A_11 = arith.andi %shift_right_arithmetic3A_9, %and3A_10 : vector<128x128xi32>
    %xor3A = arith.xori %bitcast_convert_type3A, %and3A_11 : vector<128x128xi32>
    %sub3A_12 = arith.constant -2147483647 : i32
    %sub3A_13 = arith.constant 1 : i32
    %sub3A_14 = arith.subi %sub3A_12, %sub3A_13 : i32
    %scan3A = arith.constant 2147483647 : i32
    %scan3A_15 = arith.constant 0 : i32
    %scan3A_16 = arith.constant 33 : i32
    %scan3A_17 = arith.addi %scan3A_15, %scan3A_16 : i32
    %scan3A_18 = arith.constant 1 : i32
    %scan3A_19:2 = scf.for %scan3A_43 = %scan3A_15 to %scan3A_17 step %scan3A_18 iter_args(%scan3A_44 = %sub3A_14, %scan3A_45 = %scan3A) -> (i32, i32)  : i32 {
      %and3A_46 = arith.andi %scan3A_44, %scan3A_45 : i32
      %xor3A_47 = arith.xori %scan3A_44, %scan3A_45 : i32
      %shift_right_arithmetic3A_48 = arith.constant 1 : i32
      %shift_right_arithmetic3A_49 = arith.shrsi %xor3A_47, %shift_right_arithmetic3A_48 : i32
      %add3A_50 = arith.addi %and3A_46, %shift_right_arithmetic3A_49 : i32
      %add3A_51 = arith.constant 1 : i32
      %add3A_52 = arith.addi %add3A_50, %add3A_51 : i32
      %ge3A = vector.broadcast %add3A_52 : i32 to vector<128x128xi32>
      %ge3A_53 = arith.cmpi sge, %xor3A, %ge3A : vector<128x128xi32>
      %convert_element_type3A_54 = arith.extui %ge3A_53 : vector<128x128xi1> to vector<128x128xi32>
      %reduce_sum3A_55 = vector.shape_cast %convert_element_type3A_54 : vector<128x128xi32> to vector<1x128x128xi32>
      %reduce_sum3A_56 = arith.constant dense<0> : vector<1xi32>
      %reduce_sum3A_57 = vector.multi_reduction <add>, %reduce_sum3A_55, %reduce_sum3A_56 [1, 2] : vector<1x128x128xi32> to vector<1xi32>
      %reduce_sum3A_58 = vector.shape_cast %reduce_sum3A_57 : vector<1xi32> to vector<1x1x1xi32>
      %reduce_sum3A_59 = vector.extract %reduce_sum3A_58[0, 0, 0] : i32 from vector<1x1x1xi32>
      %lt3A = arith.cmpi slt, %scan3A_44, %scan3A_45 : i32
      %ge3A_60 = arith.constant 11468 : i32
      %ge3A_61 = arith.cmpi sge, %reduce_sum3A_59, %ge3A_60 : i32
      %and3A_62 = arith.andi %lt3A, %ge3A_61 : i1
      %select_n3A_63 = arith.select %and3A_62, %add3A_52, %scan3A_44 : i32
      %lt3A_64 = arith.constant 11468 : i32
      %lt3A_65 = arith.cmpi slt, %reduce_sum3A_59, %lt3A_64 : i32
      %and3A_66 = arith.andi %lt3A, %lt3A_65 : i1
      %select_n3A_67 = arith.select %and3A_66, %add3A_50, %scan3A_45 : i32
      scf.yield %select_n3A_63, %select_n3A_67 : i32, i32
    }
    %gt3A = vector.broadcast %scan3A_19#0 : i32 to vector<128x128xi32>
    %gt3A_20 = arith.cmpi sgt, %xor3A, %gt3A : vector<128x128xi32>
    %convert_element_type3A = arith.extui %gt3A_20 : vector<128x128xi1> to vector<128x128xi32>
    %reduce_sum3A = vector.shape_cast %convert_element_type3A : vector<128x128xi32> to vector<1x128x128xi32>
    %reduce_sum3A_21 = arith.constant dense<0> : vector<1xi32>
    %reduce_sum3A_22 = vector.multi_reduction <add>, %reduce_sum3A, %reduce_sum3A_21 [1, 2] : vector<1x128x128xi32> to vector<1xi32>
    %reduce_sum3A_23 = vector.shape_cast %reduce_sum3A_22 : vector<1xi32> to vector<1x1x1xi32>
    %reduce_sum3A_24 = vector.extract %reduce_sum3A_23[0, 0, 0] : i32 from vector<1x1x1xi32>
    %jit3A = arith.constant 0.000000e+00 : f32
    %broadcast_in_dim3A = vector.broadcast %jit3A : f32 to vector<128x128xf32>
    %select_n3A = arith.select %gt3A_20, %concatenate3A, %broadcast_in_dim3A : vector<128x128xi1>, vector<128x128xf32>
    %reduce_sum3A_25 = vector.shape_cast %select_n3A : vector<128x128xf32> to vector<1x128x128xf32>
    %reduce_sum3A_26 = arith.constant dense<0.000000e+00> : vector<1xf32>
    %reduce_sum3A_27 = vector.multi_reduction <add>, %reduce_sum3A_25, %reduce_sum3A_26 [1, 2] : vector<1x128x128xf32> to vector<1xf32>
    %reduce_sum3A_28 = vector.shape_cast %reduce_sum3A_27 : vector<1xf32> to vector<1x1x1xf32>
    %reduce_sum3A_29 = vector.extract %reduce_sum3A_28[0, 0, 0] : f32 from vector<1x1x1xf32>
    %shift_right_arithmetic3A_30 = arith.constant 31 : i32
    %shift_right_arithmetic3A_31 = arith.shrsi %scan3A_19#0, %shift_right_arithmetic3A_30 : i32
    %and3A_32 = arith.constant 2147483647 : i32
    %and3A_33 = arith.andi %shift_right_arithmetic3A_31, %and3A_32 : i32
    %xor3A_34 = arith.xori %scan3A_19#0, %and3A_33 : i32
    %bitcast_convert_type3A_35 = arith.bitcast %xor3A_34 : i32 to f32
    %sub3A_36 = arith.constant 11468 : i32
    %sub3A_37 = arith.subi %sub3A_36, %reduce_sum3A_24 : i32
    %convert_element_type3A_38 = arith.sitofp %sub3A_37 : i32 to f32
    %mul3A = arith.mulf %convert_element_type3A_38, %bitcast_convert_type3A_35 : f32
    %add3A = arith.addf %reduce_sum3A_29, %mul3A : f32
    %div3A = arith.constant 1.146800e+04 : f32
    %div3A_39 = arith.divf %add3A, %div3A : f32
    %broadcast_in_dim3A_40 = vector.broadcast %div3A_39 : f32 to vector<1x1xf32>
    %swap3A = arith.constant 0 : index
    %swap3A_41 = arith.constant 0 : index
    %swap3A_42 = vector.load %arg3[%swap3A, %swap3A_41] : memref<1x1xf32, #tpu.memory_space<vmem>>, vector<1x1xf32>
    tpu.vector_store %arg3[%swap3A, %swap3A_41], %broadcast_in_dim3A_40 {strides = array<i32>} : memref<1x1xf32, #tpu.memory_space<vmem>>, vector<1x1xf32>,
    return
  }
}

module attributes {stable_mosaic.version = 14 : i64} {
  func.func @_row_stats_kernel(%arg0: i32, %arg1: memref<2048x1000xf32, #tpu.memory_space<vmem>>, %arg2: memref<1x1x2048xi32, #tpu.memory_space<vmem>>, %arg3: memref<1x1x2048xf32, #tpu.memory_space<vmem>>) attributes {dimension_semantics = [#tpu.dimension_semantics<parallel>], iteration_bounds = array<i64: 6>, scalar_prefetch = 0 : i64, scratch_operands = 0 : i64, tpu.core_type = #tpu.core_type<tc>, window_params = [{transform_indices = @transform_0, window_bounds = array<i64: 2048, 1000>}, {transform_indices = @transform_1, window_bounds = array<i64: 1, 1, 2048>}, {transform_indices = @transform_2, window_bounds = array<i64: 1, 1, 2048>}]} {
    %get3A = arith.constant 0 : index
    %get3A_0 = arith.constant 0 : index
    %get3A_1 = vector.load %arg1[%get3A, %get3A_0] : memref<2048x1000xf32, #tpu.memory_space<vmem>>, vector<2048x1000xf32>
    %get3A_2 = arith.constant 0 : index
    %get3A_3 = arith.constant 0 : index
    %get3A_4 = arith.constant 0 : index
    %get3A_5 = vector.load %arg2[%get3A_2, %get3A_3, %get3A_4] : memref<1x1x2048xi32, #tpu.memory_space<vmem>>, vector<1x1x2048xi32>
    %get3A_6 = vector.shape_cast %get3A_5 : vector<1x1x2048xi32> to vector<2048xi32>
    %exp3A = math.exp %get3A_1 : vector<2048x1000xf32>
    %reduce_sum3A = arith.constant dense<0.000000e+00> : vector<2048xf32>
    %reduce_sum3A_7 = vector.multi_reduction <add>, %exp3A, %reduce_sum3A [1] : vector<2048x1000xf32> to vector<2048xf32>
    %log3A = math.log %reduce_sum3A_7 : vector<2048xf32>
    %iota3A = tpu.iota {dimensions = array<i32: 1>} : vector<2048x1000xi32>
    %broadcast_in_dim3A = vector.shape_cast %get3A_6 : vector<2048xi32> to vector<2048x1xi32>
    %eq3A = vector.broadcast %broadcast_in_dim3A : vector<2048x1xi32> to vector<2048x1000xi32>
    %eq3A_8 = arith.cmpi eq, %iota3A, %eq3A : vector<2048x1000xi32>
    %jit3A = arith.constant 0.899999976 : f32
    %jit3A_9 = arith.constant 1.001001E-4 : f32
    %broadcast_in_dim3A_10 = vector.broadcast %jit3A : f32 to vector<2048x1000xf32>
    %broadcast_in_dim3A_11 = vector.broadcast %jit3A_9 : f32 to vector<2048x1000xf32>
    %select_n3A = arith.select %eq3A_8, %broadcast_in_dim3A_10, %broadcast_in_dim3A_11 : vector<2048x1000xi1>, vector<2048x1000xf32>
    %mul3A = arith.mulf %get3A_1, %select_n3A : vector<2048x1000xf32>
    %reduce_sum3A_12 = arith.constant dense<0.000000e+00> : vector<2048xf32>
    %reduce_sum3A_13 = vector.multi_reduction <add>, %mul3A, %reduce_sum3A_12 [1] : vector<2048x1000xf32> to vector<2048xf32>
    %sub3A = arith.subf %log3A, %reduce_sum3A_13 : vector<2048xf32>
    %swap3A = arith.constant 0 : index
    %swap3A_14 = arith.constant 0 : index
    %swap3A_15 = arith.constant 0 : index
    %swap3A_16 = vector.load %arg3[%swap3A, %swap3A_14, %swap3A_15] : memref<1x1x2048xf32, #tpu.memory_space<vmem>>, vector<1x1x2048xf32>
    %swap3A_17 = vector.shape_cast %swap3A_16 : vector<1x1x2048xf32> to vector<2048xf32>
    %swap3A_18 = vector.shape_cast %sub3A : vector<2048xf32> to vector<1x1x2048xf32>
    tpu.vector_store %arg3[%swap3A, %swap3A_14, %swap3A_15], %swap3A_18 {strides = array<i32>} : memref<1x1x2048xf32, #tpu.memory_space<vmem>>, vector<1x1x2048xf32>,
    return
  }
  func.func @transform_0(%arg0: i32) -> (i32, i32) {
    %c0_i32 = arith.constant 0 : i32
    %c0_i32_0 = arith.constant 0 : i32
    return %arg0, %c0_i32 : i32, i32
  }
  func.func @transform_1(%arg0: i32) -> (i32, i32, i32) {
    %c0_i32 = arith.constant 0 : i32
    %c0_i32_0 = arith.constant 0 : i32
    %c0_i32_1 = arith.constant 0 : i32
    return %arg0, %c0_i32, %c0_i32_0 : i32, i32, i32
  }
  func.func @transform_2(%arg0: i32) -> (i32, i32, i32) {
    %c0_i32 = arith.constant 0 : i32
    %c0_i32_0 = arith.constant 0 : i32
    %c0_i32_1 = arith.constant 0 : i32
    return %arg0, %c0_i32, %c0_i32_0 : i32, i32, i32
  }
}

</mosaic_0001>

<sc_bundles>
// kernel: kernel.5.cloned.1.call-start
scs
__scs_entry_jumppad:
0x0: {  	(pc) =	sbr.rel $0x88, $3  }
0x1: {  	(tag) =	ssettag $0x0;
	lr =	simm.s32 $0x1  }
0x2: {  	[smem:$0x3F9F] =	sst lr;
	_ =	strace $0xD0000000  }
0x3: {  	_ = 	snop  }
0x4: {  	_ = 	snop  }
0x5: {  	_ = 	snop  }
0x6: {  	_ = 	snop  }
0x7: {  	_ = 	snop  }
__scs_overlays_trampoline_lowered:
0x8: {  	[smem:$0x3FAE] =	sst s0  }
0x9: {  	[smem:$0x3FAF] =	sst s1  }
0xa: {  	[smem:$0x3FB0] =	sst s2  }
0xb: {  	[smem:$0x3FB1] =	sst s3  }
0xc: {  	[smem:$0x3FB2] =	sst s4  }
0xd: {  	[smem:$0x3FB3] =	sst s5  }
0xe: {  	[smem:$0x3FB4] =	sst s6  }
0xf: {  	[smem:$0x3FB5] =	sst s7  }
0x10: {  	[smem:$0x3FB6] =	sst s8  }
0x11: {  	[smem:$0x3FB7] =	sst s9;
	s0 =	simm.s32 @!p0 $0x0  }
0x12: {  	s1 =	sld [smem:$0x3F9D];
	s0 =	simm.s32 @p0 $0x1  }
0x13: {  	[smem:$0x3FB8] =	sst s0;
	s0 =	simm.s32 @!p1 $0x0  }
0x14: {  	s2 =	sld [smem:$0x3F9C];
	s0 =	simm.s32 @p1 $0x1  }
0x15: {  	[smem:$0x3FB9] =	sst s0;
	s0 =	simm.s32 @!p2 $0x0  }
0x16: {  	s3 =	sld [smem:$0x3FDB];
	s0 =	simm.s32 @p2 $0x1  }
0x17: {  	s4 =	simm.s32 $0x1BF5;
	[smem:$0x3FBB] =	sst s0  }
0x18: {  	s0 =	sld [smem:$0x3F9E];
	_ =	swait.ge [sflag:s4], $0x0  }
0x19: {  	s7 =	sld [smem:$0x3F9F]  }
0x1a: {  	s8 =	sadd.s32 $0xFFFFE003, lr  }
0x1b: {  	s9 =	sadd.s32 $0xFFFFFEF7, lr;
	s5 =	simm.s32 $0xFFFFFFFF;
	p2 =	slt.u32 s8, $0xFFFFF086  }
0x1c: {  	p1 =	slt.u32 s9, $0xF7A;
	s5 =	simm.s32 @!p2 $0x0  }
0x1d: {  	s5 =	simm.s32 @p1 $0x1;
	p0 =	seq.s32 s7, s2  }
0x1e: {  	s7 =	smul.u32 @!p0 $0xF7A, s2;
	p2 =	seq.s32 @!p0 s5, $0x0  }
0x1f: {  	s9 =	smul.u32 $0xF7A, s1;
	s8 =	simm.s32 @!p0 $0x1BF5;
	p2 =	por !p2, p0  }
0x20: {  	[sflag:s8] =	ssyncset.s32 @!p0 $0xFFFFF086;
	s6 =	sadd.s32 @!p0 s3, s7;
	s7 =	simm.s32 @!p0 $0x108  }
0x21: {  	s3 =	sadd.s32 s3, s9;
	s6 =	sadd.s32 @!p0 $0x88, s6;
	s7 =	simm.s32 @p2 $0x1082  }
0x22: {  	[simem:s7], [sflag:s8] =	dma.local @!p0 [hbm:s6], $0xF7A  }
0x23: {  	s9 =	sor.u32 $0xD0000000, s2;
	s6 =	simm.s32 $0x108;
	_ =	swait.ge @!p0 [sflag:s8], $0x0  }
0x24: {  	s3 =	sadd.s32 $0x88, s3;
	s6 =	simm.s32 @!p1 $0x1082;
	[sflag:s4] =	ssyncset.s32 $0xFFFFF086  }
0x25: {  	[simem:s6], [sflag:s4] =	dma.local [hbm:s3], $0xF7A  }
0x26: {  	[smem:$0x3F9F] =	sst s1;
	(tag) =	ssettag s2;
	_ =	strace s9  }
0x27: {  	s1 =	sld [smem:$0x3FAF]  }
0x28: {  	s2 =	sld [smem:$0x3FB0]  }
0x29: {  	s4 =	sld [smem:$0x3FB2]  }
0x2a: {  	p0 =	seq.s32 s5, $0x0;
	s5 =	sld [smem:$0x3FB3]  }
0x2b: {  	s6 =	sld [smem:$0x3FB4]  }
0x2c: {  	s7 =	sld [smem:$0x3FB5]  }
0x2d: {  	s3 =	simm.s32 $0x108;
	s8 =	sld [smem:$0x3FB6]  }
0x2e: {  	s3 =	simm.s32 @!p0 $0x1082;
	s9 =	sld [smem:$0x3FB7]  }
0x2f: {  	lr =	sadd.s32 s0, s3;
	s0 =	sld [smem:$0x3FAE]  }
0x30: {  	s3 =	sld [smem:$0x3FB1]  }
0x31: {  	[smem:$0x3FBA] =	sst s10  }
0x32: {  	s10 =	sld [smem:$0x3FB8];
	_ =	sdelay $0x3  }
0x33: {  	p0 =	seq.s32 s10, $0x1;
	s10 =	sld [smem:$0x3FBA];
	_ =	sdelay $0x3  }
0x34: {  	[smem:$0x3FBA] =	sst s10  }
0x35: {  	s10 =	sld [smem:$0x3FB9];
	_ =	sdelay $0x3  }
0x36: {  	p1 =	seq.s32 s10, $0x1;
	s10 =	sld [smem:$0x3FBA];
	_ =	sdelay $0x3  }
0x37: {  	[smem:$0x3FBA] =	sst s10  }
0x38: {  	s10 =	sld [smem:$0x3FBB]  }
0x39: {  	_ = 	snop;
	(pc) =	sbr.ind lr, $3  }
0x3a: {  	_ = 	snop  }
0x3b: {  	_ = 	snop  }
0x3c: {  	p2 =	seq.s32 s10, $0x1;
	s10 =	sld [smem:$0x3FBA]  }
0x3d: {  	_ =	shalt  }
0x3e: {  	_ =	shalt  }
0x3f: {  	_ =	shalt  }
0x40: {  	_ =	shalt  }
0x41: {  	_ =	shalt  }
0x42: {  	_ =	shalt  }
0x43: {  	_ =	shalt  }
0x44: {  	_ =	shalt  }
0x45: {  	_ =	shalt  }
0x46: {  	_ =	shalt  }
0x47: {  	_ =	shalt  }
0x48: {  	_ =	shalt  }
0x49: {  	_ =	shalt  }
0x4a: {  	_ =	shalt  }
0x4b: {  	_ =	shalt  }
0x4c: {  	_ =	shalt  }
0x4d: {  	_ =	shalt  }
0x4e: {  	_ =	shalt  }
0x4f: {  	_ =	shalt  }
0x50: {  	_ =	shalt  }
0x51: {  	_ =	shalt  }
0x52: {  	_ =	shalt  }
0x53: {  	_ =	shalt  }
0x54: {  	_ =	shalt  }
0x55: {  	_ =	shalt  }
0x56: {  	_ =	shalt  }
0x57: {  	_ =	shalt  }
0x58: {  	_ =	shalt  }
0x59: {  	_ =	shalt  }
0x5a: {  	_ =	shalt  }
0x5b: {  	_ =	shalt  }
0x5c: {  	_ =	shalt  }
0x5d: {  	_ =	shalt  }
0x5e: {  	_ =	shalt  }
0x5f: {  	_ =	shalt  }
0x60: {  	_ =	shalt  }
0x61: {  	_ =	shalt  }
0x62: {  	_ =	shalt  }
0x63: {  	_ =	shalt  }
0x64: {  	_ =	shalt  }
0x65: {  	_ =	shalt  }
0x66: {  	_ =	shalt  }
0x67: {  	_ =	shalt  }
0x68: {  	_ =	shalt  }
0x69: {  	_ =	shalt  }
0x6a: {  	_ =	shalt  }
0x6b: {  	_ =	shalt  }
0x6c: {  	_ =	shalt  }
0x6d: {  	_ =	shalt  }
0x6e: {  	_ =	shalt  }
0x6f: {  	_ =	shalt  }
0x70: {  	_ =	shalt  }
0x71: {  	_ =	shalt  }
0x72: {  	_ =	shalt  }
0x73: {  	_ =	shalt  }
0x74: {  	_ =	shalt  }
0x75: {  	_ =	shalt  }
0x76: {  	_ =	shalt  }
0x77: {  	_ =	shalt  }
0x78: {  	_ =	shalt  }
0x79: {  	_ =	shalt  }
0x7a: {  	_ =	shalt  }
0x7b: {  	_ =	shalt  }
0x7c: {  	_ =	shalt  }
0x7d: {  	_ =	shalt  }
0x7e: {  	_ =	shalt  }
0x7f: {  	_ =	shalt  }
0x80: {  	_ =	shalt  }
0x81: {  	_ =	shalt  }
0x82: {  	_ =	shalt  }
0x83: {  	_ =	shalt  }
0x84: {  	_ =	shalt  }
0x85: {  	_ =	shalt  }
0x86: {  	_ =	shalt  }
0x87: {  	_ =	shalt  }
.Lfunc_end0:
.L_simem_size_0:
called_computation_lowered:
.L_overlay_start_0:
0x88: {  	s2 =	sld [smem:$0x3FD9]  }
0x89: {  	s3 =	sld [smem:$0x3FFE];
	_ =	sdelay $0x1  }
0x8a: {  	s1 =	srdreg.scid  }
0x8b: {  	s0 =	sand.u32 $0x1, s1  }
0x8c: {  	s17 =	sshll.u32 s0, $0xA;
	s2 =	sadd.s32 s3, s2  }
0x8d: {  	s2 =	sadd.s32 s2, s17  }
0x8e: {  	[smem:$0x3FC6] =	sst s2  }
0x8f: {  	_ = 	snop  }
0x90: {  	s2 =	sld [smem:$0x3FC8];
	(tm) =	ssettm $0x1  }
0x91: {  	s18 =	sld [smem:$0x3FFB];
	_ =	sdelay $0x3  }
0x92: {  	_ =	strace s18  }
0x93: {  	s3 =	sld [smem:$0x3FFC];
	_ =	sdelay $0x3  }
0x94: {  	_ =	strace s3  }
0x95: {  	s3 =	sld [smem:$0x3FFD];
	_ =	sdelay $0x3  }
0x96: {  	_ =	strace s3  }
0x97: {  	_ =	strace $0x8FFFFFFF  }
0x98: {  	s19 =	sld [smem:$0x3FDB];
	_ =	sdelay $0x1  }
0x99: {  	s4 =	simm.s32 $_scs_section_size  }
0x9a: {  	s5 =	simm.s32 $_size__tile_overlayer_lowered;
	s6 =	simm.s32 $_tile_overlayer_lowered  }
0x9b: {  	s22 =	simm.s32 $0x1BFF;
	s21 =	sshll.u32 s6, $0x1;
	s3 =	sadd.s32 s4, s19  }
0x9c: {  	s7 =	simm.s32 $0x0;
	s20 =	sshll.u32 s5, $0x1;
	s5 =	sadd.s32 s21, s3  }
0x9d: {  	[timem:s7], [sflag:s22] =	dma.local [hbm:s5], s20  }
0x9e: {  	_ =	swait.ge [sflag:s22], s20  }
0x9f: {  	s4 =	ssub.s32 $0x0, s20;
	[sflag:s22] =	ssyncset.done $0x0  }
0xa0: {  	[sflag:s22] =	ssyncadd.s32 s4;
	_ =	sdelay $0x1  }
0xa1: {  	s23 =	simm.s32 $0x1B8B  }
0xa2: {  	_ =	swait.ge [sflag:s23], $0x1  }
0xa3: {  	[sflag:s23] =	ssyncset.done $0x0  }
0xa4: {  	s25 =	simm.s32 $0x1B8E;
	s24 =	sld [smem:$0x3FFE];
	[sflag:s23] =	ssyncadd.s32 $0xFFFFFFFF  }
0xa5: {  	s26 =	simm.s32 $execute0_lowered;
	[smem:$0x3FD2] =	sst s25  }
0xa6: {  	s5 =	sshll.u32 s26, $0x1;
	_ =	strace $0x80000046;
	[dreg:$0x1] =	wrdreg $0xFFFFFFFF  }
0xa7: {  	s28 =	simm.s32 $_size_execute0_lowered;
	s3 =	sadd.s32 s3, s5;
	[dreg:$0x0] =	wrdreg $0x0  }
0xa8: {  	s5 =	sshll.u32 s28, $0x1;
	[dreg:$0x2] =	wrdreg s3  }
0xa9: {  	[dreg:$0x3] =	wrdreg s5  }
0xaa: {  	[dreg:$0x4] =	wrdreg $0xC0  }
0xab: {  	_ =	task [dreg:s7], $0x5FFFF  }
0xac: {  	[dreg:$0x1] =	wrdreg $0xFFFFFFFF  }
0xad: {  	[dreg:$0x0] =	wrdreg $0x60  }
0xae: {  	[dreg:$0x2] =	wrdreg s24  }
0xaf: {  	[dreg:$0x3] =	wrdreg s2  }
0xb0: {  	[dreg:$0x4] =	wrdreg $0x9  }
0xb1: {  	_ =	task.clear_ibuf [dreg:s7], $0x5FFFF;
	_ =	strace $0x90000046  }
0xb2: {  	s29 =	simm.s32 $0x9;
	_ =	strace $0x80000048  }
0xb3: {  	_ =	swait.ge [sflag:s29], $0x1  }
0xb4: {  	[sflag:s29] =	ssyncadd.s32 $0xFFFFFFFF  }
0xb5: {  	_ =	strace $0x90000048  }
0xb6: {  	_ =	sfence  }
0xb7: {  	s30 =	sld [smem:$0x0];
	_ =	sdelay $0x2  }
0xb8: {  	s31 =	sshll.u32 s1, $0xD;
	s1 =	sshrl.u32 s1, $0x2  }
0xb9: {  	s3 =	sand.u32 $0x4000, s31;
	s1 =	sadd.s32 s1, s30  }
0xba: {  	s0 =	sor.u32 s3, s0;
	s1 =	sshll.u32 s1, $0x11  }
0xbb: {  	s0 =	sor.u32 s1, s0  }
0xbc: {  	s0 =	sadd.s32 $0x8F2B, s0  }
0xbd: {  	[sflag:s0] =	ssyncadd.remote.s32 $0x1  }
0xbe: {  	_ =	sfence.sel $0xFFFF  }
0xbf: {  	[dreg:$0x0] =	wrdreg $0xFFFFFFFF;
	(pc) =	sbr.abs _section_cstart, $3  }
0xc0: {  	[dreg:$0x1] =	wrdreg $0xFFFFFFFF  }
0xc1: {  	_ =	task.clear_ibuf [dreg:s7], $0x2FFFF;
	_ =	strace $0x9FFFFFFF  }
0xc2: {  	(tm) =	ssettm $0x7FFFFFFF  }
0xc3: {  	_ =	shalt  }
tec
execute0_lowered:
.L_overlay_start_1:
0x0: {  	(tag) =	ssettag $0x1  }
0x1: {  	s3 =	rddreg [dreg:$0x0]  }
0x2: {  	s4 =	rddreg [dreg:$0x1];
	s2 =	srdreg.scid  }
0x3: {  	s1 =	stileid.u32;
	s15 =	simm.s32 $0x8000;
	s16 =	simm.s32 $0x3  }
0x4: {  	s17 =	simm.s32 $0x4000;
	s18 =	simm.s32 $0x1;
	s19 =	simm.s32 $0x2  }
0x5: {  	s20 =	simm.s32 $0x8080;
	s21 =	simm.s32 $0x8100;
	s22 =	simm.s32 $0x0  }
0x6: {  	s5 =	sand.u32 $0x1, s2;
	s2 =	simm.s32 $0x0;
	s6 =	sshll.u32 s1, $0x8  }
0x7: {  	s8 =	sadd.s32 $0xE00, s3;
	s7 =	sshll.u32 s5, $0x7;
	[smem:$0x7FF] =	sst s2  }
0x8: {  	s29 =	ssub.s32 $0x2, s5;
	s6 =	sor.u32 s7, s6;
	_ =	strace $0x80000047  }
0x9: {  	s5 =	sshrl.u32 s29, $0x1;
	s7 =	sshrl.u32 s6, $0x3;
	s30 =	sor.u32 $0x3000, s6  }
0xa: {  	s6 =	sshll.u32 s6, $0x7;
	s14 =	ssub.s32 s29, s5;
	s13 =	sadd.s32 s7, s3  }
0xb: {  	s31 =	sshrl.u32 s30, $0x3;
	s11 =	sadd.s32 s6, s8;
	s9 =	sshll.u32 s30, $0x7  }
0xc: {  	v0 =	vlaneseq.u32;
	s14 =	smax.u32 s14, $0x1;
	s3 =	sadd.s32 s4, s31;
	s4 =	sadd.s32 $0x180800, s11  }
0xd: {  	v2 =	vmul.u32 $0xFFFFFFFF, v0;
	s5 =	sadd.s32 $0x181000, s11;
	s6 =	sadd.s32 $0x181800, s11;
	s7 =	sadd.s32 $0x182000, s11  }
0xe: {  	vm1 =	vcmask $0x3F20;
	s8 =	sadd.s32 s8, s9;
	s9 =	sadd.s32 $0x182800, s11;
	s10 =	sadd.s32 $0x183800, s11  }
0xf: {  	vm0 =	vmmov $0xff;
	v1 =	vadd.s32 $0x3D8, v0;
	v2 =	vadd.s32 $0xF, v2;
	s11 =	sadd.s32 $0x183000, s11;
	s12 =	sadd.s32 $0x200E00, s13;
	s13 =	sadd.s32 $0x201000, s13  }
.LBB2_1:
0x10: {  	[tilespmem:s15], [sflag:$0x3] =	stream.linear.gather [hbm4b:s3+s2], $0x80, $0x38;
	[tilespmem:$0x8180] =	vst v63  }
0x11: {  	_ =	swait.ge [sflag:s16], $0x80  }
0x12: {  	[sflag:s16] =	ssyncset.done $0x0  }
0x13: {  	[sflag:s16] =	ssyncadd.s32 $0xFFFFFF80  }
0x14: {  	[tilespmem:s2], [sflag:$0x1] =	stream.linear.gather [hbm4b:s8+s2], $0x4000, $0x38;
	[tilespmem:$0x8180] =	vst v63  }
0x15: {  	_ = 	snop  }
0x16: {  	[tilespmem:s17], [sflag:$0x2] =	stream.linear.gather [hbm4b:s4+s2], $0x4000, $0x38;
	[tilespmem:$0x8180] =	vst v63  }
0x17: {  	_ =	swait.ge [sflag:s18], $0x4000  }
0x18: {  	[sflag:s18] =	ssyncset.done $0x0  }
0x19: {  	[sflag:s18] =	ssyncadd.s32 $0xFFFFC000  }
0x1a: {  	v3 =	vld [tilespmem:$0x8000];
	_ =	sdelay $0x3  }
0x1b: {  	v5 =	vimm.f32 $0.0e+00  }
0x1c: {  	v6 =	vimm.f32 $0.0e+00;
	s23 =	simm.s32 $0x0;
	v4 =	vxor.u32 $0x80000000, v3;
	v3 =	vimm.f32 $0.0e+00  }
.LBB2_2:
0x1d: {  	v7 =	vmov s23;
	v9 =	vlaneseq.u32  }
0x1e: {  	vm2 =	veq.s32 v7, v9  }
0x1f: {  	v8 =	vnsel vm2, $0x80000000, v4  }
0x20: {  	(xrf0) =	vmax.scan.msk.u32 $0xffff, v8;
	_ =	sdelay $0x4  }
0x21: {  	s24 =	sshll.u32 s23, $0xA;
	s25 =	sshll.u32 s23, $0x7;
	v8 =	vmul.u32 $0xFFFFFFFF, v9  }
0x22: {  	s29 =	simm.s32 $0x0;
	s26 =	sand.u32 $0x2000, s24;
	s28 =	sand.u32 $0x380, s25;
	v10, _, _ =	vpop (xrf0)  }
0x23: {  	s26 =	sor.u32 s28, s26;
	s28 =	sand.u32 $0x1C00, s29;
	v8 =	vadd.s32 $0xF, v8;
	v10 =	vxor.u32 $0x80000000, v10  }
0x24: {  	s29 =	sand.u32 $0x70, s29;
	s28 =	sadd.s32 s28, s26;
	v8 =	vperm.xlane v10, v8  }
0x25: {  	s28 =	sadd.s32 s29, s28  }
0x26: {  	s29 =	simm.s32 $0x80;
	v10 =	vld [tilespmem:s28+$0x0];
	v8 =	vxor.u32 $0x80000000, v8  }
0x27: {  	s30 =	simm.s32 $0x10;
	s28 =	sand.u32 $0x1C00, s29;
	(xrf0) =	vmax.scan.msk.u32 $0xffff, v8  }
0x28: {  	s29 =	sand.u32 $0x70, s30;
	s28 =	sadd.s32 s28, s26  }
0x29: {  	s28 =	sadd.s32 s29, s28  }
0x2a: {  	v11 =	vld [tilespmem:s28+$0x0]  }
0x2b: {  	v12 =	vadd.f32 $8.000000000e+00, v10;
	v10 =	vmul.f32 $1.442695020e+00, v10;
	_ =	sdelay $0x1  }
0x2c: {  	(erf) = vpow2.f32 v10;
	v8, _, _ =	vpop (xrf0)  }
0x2d: {  	s28 =	simm.s32 $0x100;
	v8 =	vxor.u32 $0x80000000, v8  }
0x2e: {  	s29 =	simm.s32 $0x20;
	s28 =	sand.u32 $0x1C00, s28;
	v14 =	vadd.f32 $8.000000000e+00, v11;
	v11 =	vmul.f32 $1.442695020e+00, v11;
	vm2 =	veq.s32 v9, v8  }
0x2f: {  	s29 =	sand.u32 $0x70, s29;
	s28 =	sadd.s32 s28, s26;
	v13 =	vadd.f32 v12, v5;
	v9 =	vadd.s32 $0x10, v9;
	v12 =	vnsel vm2, $0x0, v12  }
0x30: {  	s29 =	sadd.s32 s29, s28;
	(erf) = vpow2.f32 v11;
	vm2 =	veq.s32 v9, v8;
	v15 =	vadd.f32 v12, v5  }
0x31: {  	v10 =	vadd.f32 v14, v13;
	v13 =	vnsel vm2, $0x0, v14;
	v12 =	vld [tilespmem:s29+$0x0]  }
0x32: {  	s28 =	simm.s32 $0x30;
	s29 =	simm.s32 $0x180;
	v11 =	vadd.f32 v13, v15;
	v13 =	vimm.f32 $0.0e+00  }
.LBB2_3:
0x33: {  	s30 =	sand.u32 $0x1C00, s29  }
0x34: {  	p0 =	sne.s32 s28, $0x3D0;
	s31 =	smov.u32 s28;
	s28 =	sadd.s32 $0x10, s28  }
.Ltmp0:
0x35: {  	v9 =	vadd.s32 $0x10, v9;
	s31 =	sand.u32 $0x70, s31;
	s30 =	sadd.s32 s30, s26;
	v14 =	vpop (erf);
	(pc) =	sbr.rel @p0 .LBB2_3-.Ltmp0, $4  }
0x36: {  	s30 =	sadd.s32 s31, s30;
	v15 =	vadd.f32 $8.000000000e+00, v12;
	v16 =	vmul.f32 $1.442695020e+00, v12;
	v13 =	vadd.f32 v14, v13  }
0x37: {  	vm2 =	veq.s32 v9, v8;
	v12 =	vld [tilespmem:s30+$0x0]  }
0x38: {  	v10 =	vadd.f32 v15, v10;
	v14 =	vnsel vm2, $0x0, v15;
	(erf) = vpow2.f32 v16  }
0x39: {  	s29 =	sadd.s32 $0x80, s29;
	v11 =	vadd.f32 v14, v11  }
0x3a: {  	s24 =	sor.u32 s24, s25  }
0x3b: {  	s24 =	sor.u32 $0x1C58, s24  }
0x3c: {  	v14 =	vld [tilespmem:s24+$0x0];
	_ =	sdelay $0x3  }
0x3d: {  	v15 =	vmul.f32 $1.442695020e+00, v12  }
0x3e: {  	v16 =	vmul.f32 $1.442695020e+00, v14  }
0x3f: {  	(erf) = vpow2.f32 v15  }
0x40: {  	(erf) = vpow2.f32 v16;
	_ =	sdelay $0x3  }
0x41: {  	v53 =	vpop (erf)  }
0x42: {  	v13 =	vadd.f32 v53, v13  }
0x43: {  	v55 =	vadd.f32 $8.000000000e+00, v12;
	v54 =	vpop (erf)  }
0x44: {  	v9 =	vadd.s32 $0x10, v9;
	v13 =	vadd.f32 v54, v13  }
0x45: {  	vm2 =	veq.s32 v9, v8;
	v56 =	vadd.f32 v55, v10;
	v57 =	vpop (erf)  }
0x46: {  	v12 =	vnsel vm2, $0x0, v55;
	v58 =	vadd.f32 $8.000000000e+00, v14;
	v10 =	vadd.f32 v57, v13;
	v59 =	vpop (erf)  }
0x47: {  	vm2 =	veq.s32 v8, v1;
	v11 =	vadd.f32 v12, v11;
	v60 =	vsel vm0, $0x0, v59  }
0x48: {  	vm2 =	vmand vm2, vm1;
	v61 =	vsel vm0, $0x0, v58;
	v8 =	vadd.f32 v60, v10  }
0x49: {  	v62 =	vnsel vm2, $0x0, v58;
	v9 =	vadd.f32 v61, v56  }
0x4a: {  	v10 =	vadd.f32 v62, v11;
	(xrf2) =	vadd.scan.msk.f32 $0xffff, v8  }
0x4b: {  	(xrf2) =	vadd.scan.msk.f32 $0xffff, v9  }
0x4c: {  	(xrf2) =	vadd.scan.msk.f32 $0xffff, v10;
	_ =	sdelay $0x7  }
0x4d: {  	v8, _, _ =	vpop (xrf2)  }
0x4e: {  	v9, _, _ =	vpop (xrf2);
	v8 =	vperm.xlane v8, v2  }
0x4f: {  	v9 =	vperm.xlane v9, v2;
	v10, _, _ =	vpop (xrf2)  }
0x50: {  	(xrf0) =	vmax.scan.msk.f32 $0xffff, v8;
	v8 =	vperm.xlane v10, v2  }
0x51: {  	(xrf0) =	vmax.scan.msk.f32 $0xffff, v9  }
0x52: {  	(xrf0) =	vmax.scan.msk.f32 $0xffff, v8;
	_ =	sdelay $0x3  }
0x53: {  	v8, _, _ =	vpop (xrf0)  }
0x54: {  	v9, _, _ =	vpop (xrf0)  }
0x55: {  	v63, _, _ =	vpop (xrf0)  }
0x56: {  	s23 =	sadd.s32 $0x1, s23;
	v9 =	vadd.f32 $-8.000000000e+03, v9;
	v10 =	vadd.f32 $-8.000000000e+00, v63  }
0x57: {  	p0 =	sne.s32 s23, $0x10  }
.Ltmp1:
0x58: {  	v9 =	vmul.f32 $1.001001000e-04, v9;
	v10 =	vmul.f32 $8.998998990e-01, v10;
	(pc) =	sbr.rel @p0 .LBB2_2-.Ltmp1, $4  }
0x59: {  	_ = 	snop  }
0x5a: {  	v9 =	vadd.f32 v10, v9  }
0x5b: {  	vm2 =	veq.s32 v7, v0  }
0x5c: {  	v6 =	vsel vm2, v8, v6;
	v3 =	vsel vm2, v9, v3  }
0x5d: {  	[tilespmem:$0x8080] =	vst v6  }
0x5e: {  	[tilespmem:$0x8100] =	vst v3;
	s23 =	simm.s32 $0x0  }
0x5f: {  	[tilespmem:s23], [sflag:$0x1] =	stream.linear.gather [hbm4b:s5+s23], $0x4000, $0x38;
	[tilespmem:$0x8180] =	vst v63  }
0x60: {  	_ =	swait.ge [sflag:s19], $0x4000  }
0x61: {  	[sflag:s19] =	ssyncset.done $0x0  }
0x62: {  	[sflag:s19] =	ssyncadd.s32 $0xFFFFC000  }
0x63: {  	v3 =	vld [tilespmem:$0x8010];
	_ =	sdelay $0x3  }
0x64: {  	v5 =	vimm.f32 $0.0e+00  }
0x65: {  	v6 =	vimm.f32 $0.0e+00;
	s24 =	simm.s32 $0x0;
	v4 =	vxor.u32 $0x80000000, v3;
	v3 =	vimm.f32 $0.0e+00  }
.LBB2_6:
0x66: {  	v7 =	vmov s24;
	v9 =	vlaneseq.u32  }
0x67: {  	vm2 =	veq.s32 v7, v9  }
0x68: {  	v8 =	vnsel vm2, $0x80000000, v4  }
0x69: {  	(xrf0) =	vmax.scan.msk.u32 $0xffff, v8;
	_ =	sdelay $0x3  }
0x6a: {  	s25 =	sshll.u32 s24, $0xA;
	s26 =	sshll.u32 s24, $0x7  }
0x6b: {  	s28 =	sand.u32 $0x2000, s25;
	s29 =	sand.u32 $0x380, s26;
	v8 =	vmul.u32 $0xFFFFFFFF, v9  }
0x6c: {  	s28 =	sor.u32 s29, s28;
	v10, _, _ =	vpop (xrf0)  }
0x6d: {  	s29 =	sand.u32 $0x1C00, s23;
	s28 =	sor.u32 $0x4000, s28;
	v8 =	vadd.s32 $0xF, v8;
	v10 =	vxor.u32 $0x80000000, v10  }
0x6e: {  	s30 =	sand.u32 $0x70, s23;
	s29 =	sadd.s32 s29, s28;
	v8 =	vperm.xlane v10, v8  }
0x6f: {  	s29 =	sadd.s32 s30, s29  }
0x70: {  	s30 =	simm.s32 $0x80;
	v10 =	vld [tilespmem:s29+$0x0];
	v8 =	vxor.u32 $0x80000000, v8  }
0x71: {  	s31 =	simm.s32 $0x10;
	s29 =	sand.u32 $0x1C00, s30;
	(xrf0) =	vmax.scan.msk.u32 $0xffff, v8  }
0x72: {  	s30 =	sand.u32 $0x70, s31;
	s29 =	sadd.s32 s29, s28  }
0x73: {  	s29 =	sadd.s32 s30, s29  }
0x74: {  	v11 =	vld [tilespmem:s29+$0x0]  }
0x75: {  	v12 =	vadd.f32 $8.000000000e+00, v10;
	v10 =	vmul.f32 $1.442695020e+00, v10;
	_ =	sdelay $0x1  }
0x76: {  	(erf) = vpow2.f32 v10;
	v8, _, _ =	vpop (xrf0)  }
0x77: {  	s29 =	simm.s32 $0x100;
	v8 =	vxor.u32 $0x80000000, v8  }
0x78: {  	s30 =	simm.s32 $0x20;
	s29 =	sand.u32 $0x1C00, s29;
	v14 =	vadd.f32 $8.000000000e+00, v11;
	v11 =	vmul.f32 $1.442695020e+00, v11;
	vm2 =	veq.s32 v9, v8  }
0x79: {  	s30 =	sand.u32 $0x70, s30;
	s29 =	sadd.s32 s29, s28;
	v13 =	vadd.f32 v12, v5;
	v9 =	vadd.s32 $0x10, v9;
	v12 =	vnsel vm2, $0x0, v12  }
0x7a: {  	s30 =	sadd.s32 s30, s29;
	(erf) = vpow2.f32 v11;
	vm2 =	veq.s32 v9, v8;
	v15 =	vadd.f32 v12, v5  }
0x7b: {  	v10 =	vadd.f32 v14, v13;
	v13 =	vnsel vm2, $0x0, v14;
	v12 =	vld [tilespmem:s30+$0x0]  }
0x7c: {  	s29 =	simm.s32 $0x30;
	s30 =	simm.s32 $0x180;
	v11 =	vadd.f32 v13, v15;
	v13 =	vimm.f32 $0.0e+00  }
.LBB2_7:
0x7d: {  	s31 =	sand.u32 $0x1C00, s30  }
0x7e: {  	p0 =	sne.s32 s29, $0x3D0;
	s0 =	smov.u32 s29;
	s29 =	sadd.s32 $0x10, s29  }
.Ltmp2:
0x7f: {  	v9 =	vadd.s32 $0x10, v9;
	s0 =	sand.u32 $0x70, s0;
	s31 =	sadd.s32 s31, s28;
	v14 =	vpop (erf);
	(pc) =	sbr.rel @p0 .LBB2_7-.Ltmp2, $4  }
0x80: {  	s0 =	sadd.s32 s0, s31;
	v15 =	vadd.f32 $8.000000000e+00, v12;
	v16 =	vmul.f32 $1.442695020e+00, v12;
	v13 =	vadd.f32 v14, v13  }
0x81: {  	vm2 =	veq.s32 v9, v8;
	v12 =	vld [tilespmem:s0+$0x0]  }
0x82: {  	v10 =	vadd.f32 v15, v10;
	v14 =	vnsel vm2, $0x0, v15;
	(erf) = vpow2.f32 v16  }
0x83: {  	s30 =	sadd.s32 $0x80, s30;
	v11 =	vadd.f32 v14, v11  }
0x84: {  	s0 =	sor.u32 s25, s26  }
0x85: {  	s0 =	sor.u32 $0x1C58, s0  }
0x86: {  	v14 =	vld [tilespmem:s0+$0x4000];
	_ =	sdelay $0x3  }
0x87: {  	v15 =	vmul.f32 $1.442695020e+00, v12  }
0x88: {  	v16 =	vmul.f32 $1.442695020e+00, v14  }
0x89: {  	(erf) = vpow2.f32 v15  }
0x8a: {  	(erf) = vpow2.f32 v16;
	_ =	sdelay $0x3  }
0x8b: {  	v53 =	vpop (erf)  }
0x8c: {  	v13 =	vadd.f32 v53, v13  }
0x8d: {  	v55 =	vadd.f32 $8.000000000e+00, v12;
	v54 =	vpop (erf)  }
0x8e: {  	v9 =	vadd.s32 $0x10, v9;
	v13 =	vadd.f32 v54, v13  }
0x8f: {  	vm2 =	veq.s32 v9, v8;
	v56 =	vadd.f32 v55, v10;
	v57 =	vpop (erf)  }
0x90: {  	v12 =	vnsel vm2, $0x0, v55;
	v58 =	vadd.f32 $8.000000000e+00, v14;
	v10 =	vadd.f32 v57, v13;
	v59 =	vpop (erf)  }
0x91: {  	vm2 =	veq.s32 v8, v1;
	v11 =	vadd.f32 v12, v11;
	v60 =	vsel vm0, $0x0, v59  }
0x92: {  	vm2 =	vmand vm2, vm1;
	v61 =	vsel vm0, $0x0, v58;
	v8 =	vadd.f32 v60, v10  }
0x93: {  	v62 =	vnsel vm2, $0x0, v58;
	v9 =	vadd.f32 v61, v56  }
0x94: {  	v10 =	vadd.f32 v62, v11;
	(xrf2) =	vadd.scan.msk.f32 $0xffff, v8  }
0x95: {  	(xrf2) =	vadd.scan.msk.f32 $0xffff, v9  }
0x96: {  	(xrf2) =	vadd.scan.msk.f32 $0xffff, v10;
	_ =	sdelay $0x7  }
0x97: {  	v8, _, _ =	vpop (xrf2)  }
0x98: {  	v9, _, _ =	vpop (xrf2);
	v8 =	vperm.xlane v8, v2  }
0x99: {  	v9 =	vperm.xlane v9, v2;
	v10, _, _ =	vpop (xrf2)  }
0x9a: {  	(xrf0) =	vmax.scan.msk.f32 $0xffff, v8;
	v8 =	vperm.xlane v10, v2  }
0x9b: {  	(xrf0) =	vmax.scan.msk.f32 $0xffff, v9  }
0x9c: {  	(xrf0) =	vmax.scan.msk.f32 $0xffff, v8;
	_ =	sdelay $0x3  }
0x9d: {  	v8, _, _ =	vpop (xrf0)  }
0x9e: {  	v9, _, _ =	vpop (xrf0)  }
0x9f: {  	v63, _, _ =	vpop (xrf0)  }
0xa0: {  	s24 =	sadd.s32 $0x1, s24;
	v9 =	vadd.f32 $-8.000000000e+03, v9;
	v10 =	vadd.f32 $-8.000000000e+00, v63  }
0xa1: {  	p0 =	sne.s32 s24, $0x10  }
.Ltmp3:
0xa2: {  	v9 =	vmul.f32 $1.001001000e-04, v9;
	v10 =	vmul.f32 $8.998998990e-01, v10;
	(pc) =	sbr.rel @p0 .LBB2_6-.Ltmp3, $4  }
0xa3: {  	_ = 	snop  }
0xa4: {  	v9 =	vadd.f32 v10, v9  }
0xa5: {  	vm2 =	veq.s32 v7, v0  }
0xa6: {  	v6 =	vsel vm2, v8, v6;
	v3 =	vsel vm2, v9, v3  }
0xa7: {  	[tilespmem:$0x8090] =	vst v6  }
0xa8: {  	[tilespmem:$0x8110] =	vst v3;
	s23 =	simm.s32 $0x0  }
0xa9: {  	[tilespmem:s17], [sflag:$0x2] =	stream.linear.gather [hbm4b:s6+s23], $0x4000, $0x38;
	[tilespmem:$0x8180] =	vst v63  }
0xaa: {  	_ =	swait.ge [sflag:s18], $0x4000  }
0xab: {  	[sflag:s18] =	ssyncset.done $0x0  }
0xac: {  	[sflag:s18] =	ssyncadd.s32 $0xFFFFC000  }
0xad: {  	v3 =	vld [tilespmem:$0x8020];
	_ =	sdelay $0x3  }
0xae: {  	v5 =	vimm.f32 $0.0e+00  }
0xaf: {  	v6 =	vimm.f32 $0.0e+00;
	s24 =	simm.s32 $0x0;
	v4 =	vxor.u32 $0x80000000, v3;
	v3 =	vimm.f32 $0.0e+00  }
.LBB2_10:
0xb0: {  	v7 =	vmov s24;
	v9 =	vlaneseq.u32  }
0xb1: {  	vm2 =	veq.s32 v7, v9  }
0xb2: {  	v8 =	vnsel vm2, $0x80000000, v4  }
0xb3: {  	(xrf0) =	vmax.scan.msk.u32 $0xffff, v8;
	_ =	sdelay $0x4  }
0xb4: {  	s25 =	sshll.u32 s24, $0xA;
	s26 =	sshll.u32 s24, $0x7;
	v8 =	vmul.u32 $0xFFFFFFFF, v9  }
0xb5: {  	s0 =	sand.u32 $0x2000, s25;
	s28 =	sand.u32 $0x380, s26;
	v10, _, _ =	vpop (xrf0)  }
0xb6: {  	s31 =	sand.u32 $0x1C00, s23;
	s28 =	sor.u32 s28, s0;
	v8 =	vadd.s32 $0xF, v8;
	v10 =	vxor.u32 $0x80000000, v10  }
0xb7: {  	s29 =	sand.u32 $0x70, s23;
	s0 =	sadd.s32 s31, s28;
	v8 =	vperm.xlane v10, v8  }
0xb8: {  	s0 =	sadd.s32 s29, s0  }
0xb9: {  	s29 =	simm.s32 $0x80;
	v10 =	vld [tilespmem:s0+$0x0];
	v8 =	vxor.u32 $0x80000000, v8  }
0xba: {  	s30 =	simm.s32 $0x10;
	s31 =	sand.u32 $0x1C00, s29;
	(xrf0) =	vmax.scan.msk.u32 $0xffff, v8  }
0xbb: {  	s29 =	sand.u32 $0x70, s30;
	s0 =	sadd.s32 s31, s28  }
0xbc: {  	s0 =	sadd.s32 s29, s0  }
0xbd: {  	v11 =	vld [tilespmem:s0+$0x0]  }
0xbe: {  	v12 =	vadd.f32 $8.000000000e+00, v10;
	v10 =	vmul.f32 $1.442695020e+00, v10;
	_ =	sdelay $0x1  }
0xbf: {  	(erf) = vpow2.f32 v10;
	v8, _, _ =	vpop (xrf0)  }
0xc0: {  	s31 =	simm.s32 $0x100;
	v8 =	vxor.u32 $0x80000000, v8  }
0xc1: {  	s29 =	simm.s32 $0x20;
	s0 =	sand.u32 $0x1C00, s31;
	v14 =	vadd.f32 $8.000000000e+00, v11;
	v11 =	vmul.f32 $1.442695020e+00, v11;
	vm2 =	veq.s32 v9, v8  }
0xc2: {  	s29 =	sand.u32 $0x70, s29;
	s0 =	sadd.s32 s0, s28;
	v13 =	vadd.f32 v12, v5;
	v9 =	vadd.s32 $0x10, v9;
	v12 =	vnsel vm2, $0x0, v12  }
0xc3: {  	s0 =	sadd.s32 s29, s0;
	(erf) = vpow2.f32 v11;
	vm2 =	veq.s32 v9, v8;
	v15 =	vadd.f32 v12, v5  }
0xc4: {  	v10 =	vadd.f32 v14, v13;
	v13 =	vnsel vm2, $0x0, v14;
	v12 =	vld [tilespmem:s0+$0x0]  }
0xc5: {  	s30 =	simm.s32 $0x180;
	s29 =	simm.s32 $0x30;
	v11 =	vadd.f32 v13, v15;
	v13 =	vimm.f32 $0.0e+00  }
.LBB2_11:
0xc6: {  	s0 =	sand.u32 $0x1C00, s30  }
0xc7: {  	p0 =	sne.s32 s29, $0x3D0;
	s31 =	smov.u32 s29;
	s29 =	sadd.s32 $0x10, s29  }
.Ltmp4:
0xc8: {  	v9 =	vadd.s32 $0x10, v9;
	s31 =	sand.u32 $0x70, s31;
	s0 =	sadd.s32 s0, s28;
	v14 =	vpop (erf);
	(pc) =	sbr.rel @p0 .LBB2_11-.Ltmp4, $4  }
0xc9: {  	s0 =	sadd.s32 s31, s0;
	v15 =	vadd.f32 $8.000000000e+00, v12;
	v16 =	vmul.f32 $1.442695020e+00, v12;
	v13 =	vadd.f32 v14, v13  }
0xca: {  	vm2 =	veq.s32 v9, v8;
	v12 =	vld [tilespmem:s0+$0x0]  }
0xcb: {  	v10 =	vadd.f32 v15, v10;
	v14 =	vnsel vm2, $0x0, v15;
	(erf) = vpow2.f32 v16  }
0xcc: {  	s30 =	sadd.s32 $0x80, s30;
	v11 =	vadd.f32 v14, v11  }
0xcd: {  	s0 =	sor.u32 s25, s26  }
0xce: {  	s0 =	sor.u32 $0x1C58, s0  }
0xcf: {  	v14 =	vld [tilespmem:s0+$0x0];
	_ =	sdelay $0x3  }
0xd0: {  	v15 =	vmul.f32 $1.442695020e+00, v12  }
0xd1: {  	v16 =	vmul.f32 $1.442695020e+00, v14  }
0xd2: {  	(erf) = vpow2.f32 v15  }
0xd3: {  	(erf) = vpow2.f32 v16;
	_ =	sdelay $0x3  }
0xd4: {  	v53 =	vpop (erf)  }
0xd5: {  	v13 =	vadd.f32 v53, v13  }
0xd6: {  	v55 =	vadd.f32 $8.000000000e+00, v12;
	v54 =	vpop (erf)  }
0xd7: {  	v9 =	vadd.s32 $0x10, v9;
	v13 =	vadd.f32 v54, v13  }
0xd8: {  	vm2 =	veq.s32 v9, v8;
	v56 =	vadd.f32 v55, v10;
	v57 =	vpop (erf)  }
0xd9: {  	v12 =	vnsel vm2, $0x0, v55;
	v58 =	vadd.f32 $8.000000000e+00, v14;
	v10 =	vadd.f32 v57, v13;
	v59 =	vpop (erf)  }
0xda: {  	vm2 =	veq.s32 v8, v1;
	v11 =	vadd.f32 v12, v11;
	v60 =	vsel vm0, $0x0, v59  }
0xdb: {  	vm2 =	vmand vm2, vm1;
	v61 =	vsel vm0, $0x0, v58;
	v8 =	vadd.f32 v60, v10  }
0xdc: {  	v62 =	vnsel vm2, $0x0, v58;
	v9 =	vadd.f32 v61, v56  }
0xdd: {  	v10 =	vadd.f32 v62, v11;
	(xrf2) =	vadd.scan.msk.f32 $0xffff, v8  }
0xde: {  	(xrf2) =	vadd.scan.msk.f32 $0xffff, v9  }
0xdf: {  	(xrf2) =	vadd.scan.msk.f32 $0xffff, v10;
	_ =	sdelay $0x7  }
0xe0: {  	v8, _, _ =	vpop (xrf2)  }
0xe1: {  	v9, _, _ =	vpop (xrf2);
	v8 =	vperm.xlane v8, v2  }
0xe2: {  	v9 =	vperm.xlane v9, v2;
	v10, _, _ =	vpop (xrf2)  }
0xe3: {  	(xrf0) =	vmax.scan.msk.f32 $0xffff, v8;
	v8 =	vperm.xlane v10, v2  }
0xe4: {  	(xrf0) =	vmax.scan.msk.f32 $0xffff, v9  }
0xe5: {  	(xrf0) =	vmax.scan.msk.f32 $0xffff, v8;
	_ =	sdelay $0x3  }
0xe6: {  	v8, _, _ =	vpop (xrf0)  }
0xe7: {  	v9, _, _ =	vpop (xrf0)  }
0xe8: {  	v63, _, _ =	vpop (xrf0)  }
0xe9: {  	s24 =	sadd.s32 $0x1, s24;
	v9 =	vadd.f32 $-8.000000000e+03, v9;
	v10 =	vadd.f32 $-8.000000000e+00, v63  }
0xea: {  	p0 =	sne.s32 s24, $0x10  }
.Ltmp5:
0xeb: {  	v9 =	vmul.f32 $1.001001000e-04, v9;
	v10 =	vmul.f32 $8.998998990e-01, v10;
	(pc) =	sbr.rel @p0 .LBB2_10-.Ltmp5, $4  }
0xec: {  	_ = 	snop  }
0xed: {  	v9 =	vadd.f32 v10, v9  }
0xee: {  	vm2 =	veq.s32 v7, v0  }
0xef: {  	v6 =	vsel vm2, v8, v6;
	v3 =	vsel vm2, v9, v3  }
0xf0: {  	[tilespmem:$0x80A0] =	vst v6  }
0xf1: {  	[tilespmem:$0x8120] =	vst v3;
	s23 =	simm.s32 $0x0  }
0xf2: {  	[tilespmem:s23], [sflag:$0x1] =	stream.linear.gather [hbm4b:s7+s23], $0x4000, $0x38;
	[tilespmem:$0x8180] =	vst v63  }
0xf3: {  	_ =	swait.ge [sflag:s19], $0x4000  }
0xf4: {  	[sflag:s19] =	ssyncset.done $0x0  }
0xf5: {  	[sflag:s19] =	ssyncadd.s32 $0xFFFFC000  }
0xf6: {  	v3 =	vld [tilespmem:$0x8030];
	_ =	sdelay $0x3  }
0xf7: {  	v5 =	vimm.f32 $0.0e+00  }
0xf8: {  	v6 =	vimm.f32 $0.0e+00;
	s24 =	simm.s32 $0x0;
	v4 =	vxor.u32 $0x80000000, v3;
	v3 =	vimm.f32 $0.0e+00  }
.LBB2_14:
0xf9: {  	v7 =	vmov s24;
	v9 =	vlaneseq.u32  }
0xfa: {  	vm2 =	veq.s32 v7, v9  }
0xfb: {  	v8 =	vnsel vm2, $0x80000000, v4  }
0xfc: {  	(xrf0) =	vmax.scan.msk.u32 $0xffff, v8;
	_ =	sdelay $0x3  }
0xfd: {  	s25 =	sshll.u32 s24, $0xA;
	s26 =	sshll.u32 s24, $0x7  }
0xfe: {  	s0 =	sand.u32 $0x2000, s25;
	s28 =	sand.u32 $0x380, s26;
	v8 =	vmul.u32 $0xFFFFFFFF, v9  }
0xff: {  	s0 =	sor.u32 s28, s0;
	v10, _, _ =	vpop (xrf0)  }
0x100: {  	s31 =	sand.u32 $0x1C00, s23;
	s28 =	sor.u32 $0x4000, s0;
	v8 =	vadd.s32 $0xF, v8;
	v10 =	vxor.u32 $0x80000000, v10  }
0x101: {  	s29 =	sand.u32 $0x70, s23;
	s0 =	sadd.s32 s31, s28;
	v8 =	vperm.xlane v10, v8  }
0x102: {  	s0 =	sadd.s32 s29, s0  }
0x103: {  	s29 =	simm.s32 $0x80;
	v10 =	vld [tilespmem:s0+$0x0];
	v8 =	vxor.u32 $0x80000000, v8  }
0x104: {  	s30 =	simm.s32 $0x10;
	s31 =	sand.u32 $0x1C00, s29;
	(xrf0) =	vmax.scan.msk.u32 $0xffff, v8  }
0x105: {  	s29 =	sand.u32 $0x70, s30;
	s0 =	sadd.s32 s31, s28  }
0x106: {  	s0 =	sadd.s32 s29, s0  }
0x107: {  	v11 =	vld [tilespmem:s0+$0x0]  }
0x108: {  	v12 =	vadd.f32 $8.000000000e+00, v10;
	v10 =	vmul.f32 $1.442695020e+00, v10;
	_ =	sdelay $0x1  }
0x109: {  	(erf) = vpow2.f32 v10;
	v8, _, _ =	vpop (xrf0)  }
0x10a: {  	s31 =	simm.s32 $0x100;
	v8 =	vxor.u32 $0x80000000, v8  }
0x10b: {  	s29 =	simm.s32 $0x20;
	s0 =	sand.u32 $0x1C00, s31;
	v14 =	vadd.f32 $8.000000000e+00, v11;
	v11 =	vmul.f32 $1.442695020e+00, v11;
	vm2 =	veq.s32 v9, v8  }
0x10c: {  	s29 =	sand.u32 $0x70, s29;
	s0 =	sadd.s32 s0, s28;
	v13 =	vadd.f32 v12, v5;
	v9 =	vadd.s32 $0x10, v9;
	v12 =	vnsel vm2, $0x0, v12  }
0x10d: {  	s0 =	sadd.s32 s29, s0;
	(erf) = vpow2.f32 v11;
	vm2 =	veq.s32 v9, v8;
	v15 =	vadd.f32 v12, v5  }
0x10e: {  	v10 =	vadd.f32 v14, v13;
	v13 =	vnsel vm2, $0x0, v14;
	v12 =	vld [tilespmem:s0+$0x0]  }
0x10f: {  	s30 =	simm.s32 $0x180;
	s29 =	simm.s32 $0x30;
	v11 =	vadd.f32 v13, v15;
	v13 =	vimm.f32 $0.0e+00  }
.LBB2_15:
0x110: {  	s0 =	sand.u32 $0x1C00, s30  }
0x111: {  	p0 =	sne.s32 s29, $0x3D0;
	s31 =	smov.u32 s29;
	s29 =	sadd.s32 $0x10, s29  }
.Ltmp6:
0x112: {  	v9 =	vadd.s32 $0x10, v9;
	s31 =	sand.u32 $0x70, s31;
	s0 =	sadd.s32 s0, s28;
	v14 =	vpop (erf);
	(pc) =	sbr.rel @p0 .LBB2_15-.Ltmp6, $4  }
0x113: {  	s0 =	sadd.s32 s31, s0;
	v15 =	vadd.f32 $8.000000000e+00, v12;
	v16 =	vmul.f32 $1.442695020e+00, v12;
	v13 =	vadd.f32 v14, v13  }
0x114: {  	vm2 =	veq.s32 v9, v8;
	v12 =	vld [tilespmem:s0+$0x0]  }
0x115: {  	v10 =	vadd.f32 v15, v10;
	v14 =	vnsel vm2, $0x0, v15;
	(erf) = vpow2.f32 v16  }
0x116: {  	s30 =	sadd.s32 $0x80, s30;
	v11 =	vadd.f32 v14, v11  }
0x117: {  	s0 =	sor.u32 s25, s26  }
0x118: {  	s0 =	sor.u32 $0x1C58, s0  }
0x119: {  	v14 =	vld [tilespmem:s0+$0x4000];
	_ =	sdelay $0x3  }
0x11a: {  	v15 =	vmul.f32 $1.442695020e+00, v12  }
0x11b: {  	v16 =	vmul.f32 $1.442695020e+00, v14  }
0x11c: {  	(erf) = vpow2.f32 v15  }
0x11d: {  	(erf) = vpow2.f32 v16;
	_ =	sdelay $0x3  }
0x11e: {  	v53 =	vpop (erf)  }
0x11f: {  	v13 =	vadd.f32 v53, v13  }
0x120: {  	v55 =	vadd.f32 $8.000000000e+00, v12;
	v54 =	vpop (erf)  }
0x121: {  	v9 =	vadd.s32 $0x10, v9;
	v13 =	vadd.f32 v54, v13  }
0x122: {  	vm2 =	veq.s32 v9, v8;
	v56 =	vadd.f32 v55, v10;
	v57 =	vpop (erf)  }
0x123: {  	v12 =	vnsel vm2, $0x0, v55;
	v58 =	vadd.f32 $8.000000000e+00, v14;
	v10 =	vadd.f32 v57, v13;
	v59 =	vpop (erf)  }
0x124: {  	vm2 =	veq.s32 v8, v1;
	v11 =	vadd.f32 v12, v11;
	v60 =	vsel vm0, $0x0, v59  }
0x125: {  	vm2 =	vmand vm2, vm1;
	v61 =	vsel vm0, $0x0, v58;
	v8 =	vadd.f32 v60, v10  }
0x126: {  	v62 =	vnsel vm2, $0x0, v58;
	v9 =	vadd.f32 v61, v56  }
0x127: {  	v10 =	vadd.f32 v62, v11;
	(xrf2) =	vadd.scan.msk.f32 $0xffff, v8  }
0x128: {  	(xrf2) =	vadd.scan.msk.f32 $0xffff, v9  }
0x129: {  	(xrf2) =	vadd.scan.msk.f32 $0xffff, v10;
	_ =	sdelay $0x7  }
0x12a: {  	v8, _, _ =	vpop (xrf2)  }
0x12b: {  	v9, _, _ =	vpop (xrf2);
	v8 =	vperm.xlane v8, v2  }
0x12c: {  	v9 =	vperm.xlane v9, v2;
	v10, _, _ =	vpop (xrf2)  }
0x12d: {  	(xrf0) =	vmax.scan.msk.f32 $0xffff, v8;
	v8 =	vperm.xlane v10, v2  }
0x12e: {  	(xrf0) =	vmax.scan.msk.f32 $0xffff, v9  }
0x12f: {  	(xrf0) =	vmax.scan.msk.f32 $0xffff, v8;
	_ =	sdelay $0x3  }
0x130: {  	v8, _, _ =	vpop (xrf0)  }
0x131: {  	v9, _, _ =	vpop (xrf0)  }
0x132: {  	v63, _, _ =	vpop (xrf0)  }
0x133: {  	s24 =	sadd.s32 $0x1, s24;
	v9 =	vadd.f32 $-8.000000000e+03, v9;
	v10 =	vadd.f32 $-8.000000000e+00, v63  }
0x134: {  	p0 =	sne.s32 s24, $0x10  }
.Ltmp7:
0x135: {  	v9 =	vmul.f32 $1.001001000e-04, v9;
	v10 =	vmul.f32 $8.998998990e-01, v10;
	(pc) =	sbr.rel @p0 .LBB2_14-.Ltmp7, $4  }
0x136: {  	_ = 	snop  }
0x137: {  	v9 =	vadd.f32 v10, v9  }
0x138: {  	vm2 =	veq.s32 v7, v0  }
0x139: {  	v6 =	vsel vm2, v8, v6;
	v3 =	vsel vm2, v9, v3  }
0x13a: {  	[tilespmem:$0x80B0] =	vst v6  }
0x13b: {  	[tilespmem:$0x8130] =	vst v3;
	s23 =	simm.s32 $0x0  }
0x13c: {  	[tilespmem:s17], [sflag:$0x2] =	stream.linear.gather [hbm4b:s9+s23], $0x4000, $0x38;
	[tilespmem:$0x8180] =	vst v63  }
0x13d: {  	_ =	swait.ge [sflag:s18], $0x4000  }
0x13e: {  	[sflag:s18] =	ssyncset.done $0x0  }
0x13f: {  	[sflag:s18] =	ssyncadd.s32 $0xFFFFC000  }
0x140: {  	v3 =	vld [tilespmem:$0x8040];
	_ =	sdelay $0x3  }
0x141: {  	v5 =	vimm.f32 $0.0e+00  }
0x142: {  	v6 =	vimm.f32 $0.0e+00;
	s24 =	simm.s32 $0x0;
	v4 =	vxor.u32 $0x80000000, v3;
	v3 =	vimm.f32 $0.0e+00  }
.LBB2_18:
0x143: {  	v7 =	vmov s24;
	v9 =	vlaneseq.u32  }
0x144: {  	vm2 =	veq.s32 v7, v9  }
0x145: {  	v8 =	vnsel vm2, $0x80000000, v4  }
0x146: {  	(xrf0) =	vmax.scan.msk.u32 $0xffff, v8;
	_ =	sdelay $0x4  }
0x147: {  	s25 =	sshll.u32 s24, $0xA;
	s26 =	sshll.u32 s24, $0x7;
	v8 =	vmul.u32 $0xFFFFFFFF, v9  }
0x148: {  	s0 =	sand.u32 $0x2000, s25;
	s28 =	sand.u32 $0x380, s26;
	v10, _, _ =	vpop (xrf0)  }
0x149: {  	s31 =	sand.u32 $0x1C00, s23;
	s28 =	sor.u32 s28, s0;
	v8 =	vadd.s32 $0xF, v8;
	v10 =	vxor.u32 $0x80000000, v10  }
0x14a: {  	s29 =	sand.u32 $0x70, s23;
	s0 =	sadd.s32 s31, s28;
	v8 =	vperm.xlane v10, v8  }
0x14b: {  	s0 =	sadd.s32 s29, s0  }
0x14c: {  	s29 =	simm.s32 $0x80;
	v10 =	vld [tilespmem:s0+$0x0];
	v8 =	vxor.u32 $0x80000000, v8  }
0x14d: {  	s30 =	simm.s32 $0x10;
	s31 =	sand.u32 $0x1C00, s29;
	(xrf0) =	vmax.scan.msk.u32 $0xffff, v8  }
0x14e: {  	s29 =	sand.u32 $0x70, s30;
	s0 =	sadd.s32 s31, s28  }
0x14f: {  	s0 =	sadd.s32 s29, s0  }
0x150: {  	v11 =	vld [tilespmem:s0+$0x0]  }
0x151: {  	v12 =	vadd.f32 $8.000000000e+00, v10;
	v10 =	vmul.f32 $1.442695020e+00, v10;
	_ =	sdelay $0x1  }
0x152: {  	(erf) = vpow2.f32 v10;
	v8, _, _ =	vpop (xrf0)  }
0x153: {  	s31 =	simm.s32 $0x100;
	v8 =	vxor.u32 $0x80000000, v8  }
0x154: {  	s29 =	simm.s32 $0x20;
	s0 =	sand.u32 $0x1C00, s31;
	v14 =	vadd.f32 $8.000000000e+00, v11;
	v11 =	vmul.f32 $1.442695020e+00, v11;
	vm2 =	veq.s32 v9, v8  }
0x155: {  	s29 =	sand.u32 $0x70, s29;
	s0 =	sadd.s32 s0, s28;
	v13 =	vadd.f32 v12, v5;
	v9 =	vadd.s32 $0x10, v9;
	v12 =	vnsel vm2, $0x0, v12  }
0x156: {  	s0 =	sadd.s32 s29, s0;
	(erf) = vpow2.f32 v11;
	vm2 =	veq.s32 v9, v8;
	v15 =	vadd.f32 v12, v5  }
0x157: {  	v10 =	vadd.f32 v14, v13;
	v13 =	vnsel vm2, $0x0, v14;
	v12 =	vld [tilespmem:s0+$0x0]  }
0x158: {  	s30 =	simm.s32 $0x180;
	s29 =	simm.s32 $0x30;
	v11 =	vadd.f32 v13, v15;
	v13 =	vimm.f32 $0.0e+00  }
.LBB2_19:
0x159: {  	s0 =	sand.u32 $0x1C00, s30  }
0x15a: {  	p0 =	sne.s32 s29, $0x3D0;
	s31 =	smov.u32 s29;
	s29 =	sadd.s32 $0x10, s29  }
.Ltmp8:
0x15b: {  	v9 =	vadd.s32 $0x10, v9;
	s31 =	sand.u32 $0x70, s31;
	s0 =	sadd.s32 s0, s28;
	v14 =	vpop (erf);
	(pc) =	sbr.rel @p0 .LBB2_19-.Ltmp8, $4  }
0x15c: {  	s0 =	sadd.s32 s31, s0;
	v15 =	vadd.f32 $8.000000000e+00, v12;
	v16 =	vmul.f32 $1.442695020e+00, v12;
	v13 =	vadd.f32 v14, v13  }
0x15d: {  	vm2 =	veq.s32 v9, v8;
	v12 =	vld [tilespmem:s0+$0x0]  }
0x15e: {  	v10 =	vadd.f32 v15, v10;
	v14 =	vnsel vm2, $0x0, v15;
	(erf) = vpow2.f32 v16  }
0x15f: {  	s30 =	sadd.s32 $0x80, s30;
	v11 =	vadd.f32 v14, v11  }
0x160: {  	s0 =	sor.u32 s25, s26  }
0x161: {  	s0 =	sor.u32 $0x1C58, s0  }
0x162: {  	v14 =	vld [tilespmem:s0+$0x0];
	_ =	sdelay $0x3  }
0x163: {  	v15 =	vmul.f32 $1.442695020e+00, v12  }
0x164: {  	v16 =	vmul.f32 $1.442695020e+00, v14  }
0x165: {  	(erf) = vpow2.f32 v15  }
0x166: {  	(erf) = vpow2.f32 v16;
	_ =	sdelay $0x3  }
0x167: {  	v53 =	vpop (erf)  }
0x168: {  	v13 =	vadd.f32 v53, v13  }
0x169: {  	v55 =	vadd.f32 $8.000000000e+00, v12;
	v54 =	vpop (erf)  }
0x16a: {  	v9 =	vadd.s32 $0x10, v9;
	v13 =	vadd.f32 v54, v13  }
0x16b: {  	vm2 =	veq.s32 v9, v8;
	v56 =	vadd.f32 v55, v10;
	v57 =	vpop (erf)  }
0x16c: {  	v12 =	vnsel vm2, $0x0, v55;
	v58 =	vadd.f32 $8.000000000e+00, v14;
	v10 =	vadd.f32 v57, v13;
	v59 =	vpop (erf)  }
0x16d: {  	vm2 =	veq.s32 v8, v1;
	v11 =	vadd.f32 v12, v11;
	v60 =	vsel vm0, $0x0, v59  }
0x16e: {  	vm2 =	vmand vm2, vm1;
	v61 =	vsel vm0, $0x0, v58;
	v8 =	vadd.f32 v60, v10  }
0x16f: {  	v62 =	vnsel vm2, $0x0, v58;
	v9 =	vadd.f32 v61, v56  }
0x170: {  	v10 =	vadd.f32 v62, v11;
	(xrf2) =	vadd.scan.msk.f32 $0xffff, v8  }
0x171: {  	(xrf2) =	vadd.scan.msk.f32 $0xffff, v9  }
0x172: {  	(xrf2) =	vadd.scan.msk.f32 $0xffff, v10;
	_ =	sdelay $0x7  }
0x173: {  	v8, _, _ =	vpop (xrf2)  }
0x174: {  	v9, _, _ =	vpop (xrf2);
	v8 =	vperm.xlane v8, v2  }
0x175: {  	v9 =	vperm.xlane v9, v2;
	v10, _, _ =	vpop (xrf2)  }
0x176: {  	(xrf0) =	vmax.scan.msk.f32 $0xffff, v8;
	v8 =	vperm.xlane v10, v2  }
0x177: {  	(xrf0) =	vmax.scan.msk.f32 $0xffff, v9  }
0x178: {  	(xrf0) =	vmax.scan.msk.f32 $0xffff, v8;
	_ =	sdelay $0x3  }
0x179: {  	v8, _, _ =	vpop (xrf0)  }
0x17a: {  	v9, _, _ =	vpop (xrf0)  }
0x17b: {  	v63, _, _ =	vpop (xrf0)  }
0x17c: {  	s24 =	sadd.s32 $0x1, s24;
	v9 =	vadd.f32 $-8.000000000e+03, v9;
	v10 =	vadd.f32 $-8.000000000e+00, v63  }
0x17d: {  	p0 =	sne.s32 s24, $0x10  }
.Ltmp9:
0x17e: {  	v9 =	vmul.f32 $1.001001000e-04, v9;
	v10 =	vmul.f32 $8.998998990e-01, v10;
	(pc) =	sbr.rel @p0 .LBB2_18-.Ltmp9, $4  }
0x17f: {  	_ = 	snop  }
0x180: {  	v9 =	vadd.f32 v10, v9  }
0x181: {  	vm2 =	veq.s32 v7, v0  }
0x182: {  	v6 =	vsel vm2, v8, v6;
	v3 =	vsel vm2, v9, v3  }
0x183: {  	[tilespmem:$0x80C0] =	vst v6  }
0x184: {  	[tilespmem:$0x8140] =	vst v3;
	s23 =	simm.s32 $0x0  }
0x185: {  	[tilespmem:s23], [sflag:$0x1] =	stream.linear.gather [hbm4b:s11+s23], $0x4000, $0x38;
	[tilespmem:$0x8180] =	vst v63  }
0x186: {  	_ =	swait.ge [sflag:s19], $0x4000  }
0x187: {  	[sflag:s19] =	ssyncset.done $0x0  }
0x188: {  	[sflag:s19] =	ssyncadd.s32 $0xFFFFC000  }
0x189: {  	v3 =	vld [tilespmem:$0x8050];
	_ =	sdelay $0x3  }
0x18a: {  	v5 =	vimm.f32 $0.0e+00  }
0x18b: {  	v6 =	vimm.f32 $0.0e+00;
	s24 =	simm.s32 $0x0;
	v4 =	vxor.u32 $0x80000000, v3;
	v3 =	vimm.f32 $0.0e+00  }
.LBB2_22:
0x18c: {  	v7 =	vmov s24;
	v9 =	vlaneseq.u32  }
0x18d: {  	vm2 =	veq.s32 v7, v9  }
0x18e: {  	v8 =	vnsel vm2, $0x80000000, v4  }
0x18f: {  	(xrf0) =	vmax.scan.msk.u32 $0xffff, v8;
	_ =	sdelay $0x3  }
0x190: {  	s25 =	sshll.u32 s24, $0xA;
	s26 =	sshll.u32 s24, $0x7  }
0x191: {  	s0 =	sand.u32 $0x2000, s25;
	s28 =	sand.u32 $0x380, s26;
	v8 =	vmul.u32 $0xFFFFFFFF, v9  }
0x192: {  	s0 =	sor.u32 s28, s0;
	v10, _, _ =	vpop (xrf0)  }
0x193: {  	s31 =	sand.u32 $0x1C00, s23;
	s28 =	sor.u32 $0x4000, s0;
	v8 =	vadd.s32 $0xF, v8;
	v10 =	vxor.u32 $0x80000000, v10  }
0x194: {  	s29 =	sand.u32 $0x70, s23;
	s0 =	sadd.s32 s31, s28;
	v8 =	vperm.xlane v10, v8  }
0x195: {  	s0 =	sadd.s32 s29, s0  }
0x196: {  	s29 =	simm.s32 $0x80;
	v10 =	vld [tilespmem:s0+$0x0];
	v8 =	vxor.u32 $0x80000000, v8  }
0x197: {  	s30 =	simm.s32 $0x10;
	s31 =	sand.u32 $0x1C00, s29;
	(xrf0) =	vmax.scan.msk.u32 $0xffff, v8  }
0x198: {  	s29 =	sand.u32 $0x70, s30;
	s0 =	sadd.s32 s31, s28  }
0x199: {  	s0 =	sadd.s32 s29, s0  }
0x19a: {  	v11 =	vld [tilespmem:s0+$0x0]  }
0x19b: {  	v12 =	vadd.f32 $8.000000000e+00, v10;
	v10 =	vmul.f32 $1.442695020e+00, v10;
	_ =	sdelay $0x1  }
0x19c: {  	(erf) = vpow2.f32 v10;
	v8, _, _ =	vpop (xrf0)  }
0x19d: {  	s31 =	simm.s32 $0x100;
	v8 =	vxor.u32 $0x80000000, v8  }
0x19e: {  	s29 =	simm.s32 $0x20;
	s0 =	sand.u32 $0x1C00, s31;
	v14 =	vadd.f32 $8.000000000e+00, v11;
	v11 =	vmul.f32 $1.442695020e+00, v11;
	vm2 =	veq.s32 v9, v8  }
0x19f: {  	s29 =	sand.u32 $0x70, s29;
	s0 =	sadd.s32 s0, s28;
	v13 =	vadd.f32 v12, v5;
	v9 =	vadd.s32 $0x10, v9;
	v12 =	vnsel vm2, $0x0, v12  }
0x1a0: {  	s0 =	sadd.s32 s29, s0;
	(erf) = vpow2.f32 v11;
	vm2 =	veq.s32 v9, v8;
	v15 =	vadd.f32 v12, v5  }
0x1a1: {  	v10 =	vadd.f32 v14, v13;
	v13 =	vnsel vm2, $0x0, v14;
	v12 =	vld [tilespmem:s0+$0x0]  }
0x1a2: {  	s30 =	simm.s32 $0x180;
	s29 =	simm.s32 $0x30;
	v11 =	vadd.f32 v13, v15;
	v13 =	vimm.f32 $0.0e+00  }
.LBB2_23:
0x1a3: {  	s0 =	sand.u32 $0x1C00, s30  }
0x1a4: {  	p0 =	sne.s32 s29, $0x3D0;
	s31 =	smov.u32 s29;
	s29 =	sadd.s32 $0x10, s29  }
.Ltmp10:
0x1a5: {  	v9 =	vadd.s32 $0x10, v9;
	s31 =	sand.u32 $0x70, s31;
	s0 =	sadd.s32 s0, s28;
	v14 =	vpop (erf);
	(pc) =	sbr.rel @p0 .LBB2_23-.Ltmp10, $4  }
0x1a6: {  	s0 =	sadd.s32 s31, s0;
	v15 =	vadd.f32 $8.000000000e+00, v12;
	v16 =	vmul.f32 $1.442695020e+00, v12;
	v13 =	vadd.f32 v14, v13  }
0x1a7: {  	vm2 =	veq.s32 v9, v8;
	v12 =	vld [tilespmem:s0+$0x0]  }
0x1a8: {  	v10 =	vadd.f32 v15, v10;
	v14 =	vnsel vm2, $0x0, v15;
	(erf) = vpow2.f32 v16  }
0x1a9: {  	s30 =	sadd.s32 $0x80, s30;
	v11 =	vadd.f32 v14, v11  }
0x1aa: {  	s0 =	sor.u32 s25, s26  }
0x1ab: {  	s0 =	sor.u32 $0x1C58, s0  }
0x1ac: {  	v14 =	vld [tilespmem:s0+$0x4000];
	_ =	sdelay $0x3  }
0x1ad: {  	v15 =	vmul.f32 $1.442695020e+00, v12  }
0x1ae: {  	v16 =	vmul.f32 $1.442695020e+00, v14  }
0x1af: {  	(erf) = vpow2.f32 v15  }
0x1b0: {  	(erf) = vpow2.f32 v16;
	_ =	sdelay $0x3  }
0x1b1: {  	v53 =	vpop (erf)  }
0x1b2: {  	v13 =	vadd.f32 v53, v13  }
0x1b3: {  	v55 =	vadd.f32 $8.000000000e+00, v12;
	v54 =	vpop (erf)  }
0x1b4: {  	v9 =	vadd.s32 $0x10, v9;
	v13 =	vadd.f32 v54, v13  }
0x1b5: {  	vm2 =	veq.s32 v9, v8;
	v56 =	vadd.f32 v55, v10;
	v57 =	vpop (erf)  }
0x1b6: {  	v12 =	vnsel vm2, $0x0, v55;
	v58 =	vadd.f32 $8.000000000e+00, v14;
	v10 =	vadd.f32 v57, v13;
	v59 =	vpop (erf)  }
0x1b7: {  	vm2 =	veq.s32 v8, v1;
	v11 =	vadd.f32 v12, v11;
	v60 =	vsel vm0, $0x0, v59  }
0x1b8: {  	vm2 =	vmand vm2, vm1;
	v61 =	vsel vm0, $0x0, v58;
	v8 =	vadd.f32 v60, v10  }
0x1b9: {  	v62 =	vnsel vm2, $0x0, v58;
	v9 =	vadd.f32 v61, v56  }
0x1ba: {  	v10 =	vadd.f32 v62, v11;
	(xrf2) =	vadd.scan.msk.f32 $0xffff, v8  }
0x1bb: {  	(xrf2) =	vadd.scan.msk.f32 $0xffff, v9  }
0x1bc: {  	(xrf2) =	vadd.scan.msk.f32 $0xffff, v10;
	_ =	sdelay $0x7  }
0x1bd: {  	v8, _, _ =	vpop (xrf2)  }
0x1be: {  	v9, _, _ =	vpop (xrf2);
	v8 =	vperm.xlane v8, v2  }
0x1bf: {  	v9 =	vperm.xlane v9, v2;
	v10, _, _ =	vpop (xrf2)  }
0x1c0: {  	(xrf0) =	vmax.scan.msk.f32 $0xffff, v8;
	v8 =	vperm.xlane v10, v2  }
0x1c1: {  	(xrf0) =	vmax.scan.msk.f32 $0xffff, v9  }
0x1c2: {  	(xrf0) =	vmax.scan.msk.f32 $0xffff, v8;
	_ =	sdelay $0x3  }
0x1c3: {  	v8, _, _ =	vpop (xrf0)  }
0x1c4: {  	v9, _, _ =	vpop (xrf0)  }
0x1c5: {  	v63, _, _ =	vpop (xrf0)  }
0x1c6: {  	s24 =	sadd.s32 $0x1, s24;
	v9 =	vadd.f32 $-8.000000000e+03, v9;
	v10 =	vadd.f32 $-8.000000000e+00, v63  }
0x1c7: {  	p0 =	sne.s32 s24, $0x10  }
.Ltmp11:
0x1c8: {  	v9 =	vmul.f32 $1.001001000e-04, v9;
	v10 =	vmul.f32 $8.998998990e-01, v10;
	(pc) =	sbr.rel @p0 .LBB2_22-.Ltmp11, $4  }
0x1c9: {  	_ = 	snop  }
0x1ca: {  	v9 =	vadd.f32 v10, v9  }
0x1cb: {  	vm2 =	veq.s32 v7, v0  }
0x1cc: {  	v6 =	vsel vm2, v8, v6;
	v3 =	vsel vm2, v9, v3  }
0x1cd: {  	[tilespmem:$0x80D0] =	vst v6  }
0x1ce: {  	[tilespmem:$0x8150] =	vst v3;
	s23 =	simm.s32 $0x0  }
0x1cf: {  	[tilespmem:s17], [sflag:$0x2] =	stream.linear.gather [hbm4b:s10+s23], $0x4000, $0x38;
	[tilespmem:$0x8180] =	vst v63  }
0x1d0: {  	_ =	swait.ge [sflag:s18], $0x4000  }
0x1d1: {  	[sflag:s18] =	ssyncset.done $0x0  }
0x1d2: {  	[sflag:s18] =	ssyncadd.s32 $0xFFFFC000  }
0x1d3: {  	v3 =	vld [tilespmem:$0x8060];
	_ =	sdelay $0x3  }
0x1d4: {  	v5 =	vimm.f32 $0.0e+00  }
0x1d5: {  	v6 =	vimm.f32 $0.0e+00;
	s24 =	simm.s32 $0x0;
	v4 =	vxor.u32 $0x80000000, v3;
	v3 =	vimm.f32 $0.0e+00  }
.LBB2_26:
0x1d6: {  	v7 =	vmov s24;
	v9 =	vlaneseq.u32  }
0x1d7: {  	vm2 =	veq.s32 v7, v9  }
0x1d8: {  	v8 =	vnsel vm2, $0x80000000, v4  }
0x1d9: {  	(xrf0) =	vmax.scan.msk.u32 $0xffff, v8;
	_ =	sdelay $0x4  }
0x1da: {  	s25 =	sshll.u32 s24, $0xA;
	s26 =	sshll.u32 s24, $0x7;
	v8 =	vmul.u32 $0xFFFFFFFF, v9  }
0x1db: {  	s0 =	sand.u32 $0x2000, s25;
	s28 =	sand.u32 $0x380, s26;
	v10, _, _ =	vpop (xrf0)  }
0x1dc: {  	s31 =	sand.u32 $0x1C00, s23;
	s28 =	sor.u32 s28, s0;
	v8 =	vadd.s32 $0xF, v8;
	v10 =	vxor.u32 $0x80000000, v10  }
0x1dd: {  	s29 =	sand.u32 $0x70, s23;
	s0 =	sadd.s32 s31, s28;
	v8 =	vperm.xlane v10, v8  }
0x1de: {  	s0 =	sadd.s32 s29, s0  }
0x1df: {  	s29 =	simm.s32 $0x80;
	v10 =	vld [tilespmem:s0+$0x0];
	v8 =	vxor.u32 $0x80000000, v8  }
0x1e0: {  	s30 =	simm.s32 $0x10;
	s31 =	sand.u32 $0x1C00, s29;
	(xrf0) =	vmax.scan.msk.u32 $0xffff, v8  }
0x1e1: {  	s29 =	sand.u32 $0x70, s30;
	s0 =	sadd.s32 s31, s28  }
0x1e2: {  	s0 =	sadd.s32 s29, s0  }
0x1e3: {  	v11 =	vld [tilespmem:s0+$0x0]  }
0x1e4: {  	v12 =	vadd.f32 $8.000000000e+00, v10;
	v10 =	vmul.f32 $1.442695020e+00, v10;
	_ =	sdelay $0x1  }
0x1e5: {  	(erf) = vpow2.f32 v10;
	v8, _, _ =	vpop (xrf0)  }
0x1e6: {  	s31 =	simm.s32 $0x100;
	v8 =	vxor.u32 $0x80000000, v8  }
0x1e7: {  	s29 =	simm.s32 $0x20;
	s0 =	sand.u32 $0x1C00, s31;
	v14 =	vadd.f32 $8.000000000e+00, v11;
	v11 =	vmul.f32 $1.442695020e+00, v11;
	vm2 =	veq.s32 v9, v8  }
0x1e8: {  	s29 =	sand.u32 $0x70, s29;
	s0 =	sadd.s32 s0, s28;
	v13 =	vadd.f32 v12, v5;
	v9 =	vadd.s32 $0x10, v9;
	v12 =	vnsel vm2, $0x0, v12  }
0x1e9: {  	s0 =	sadd.s32 s29, s0;
	(erf) = vpow2.f32 v11;
	vm2 =	veq.s32 v9, v8;
	v15 =	vadd.f32 v12, v5  }
0x1ea: {  	v10 =	vadd.f32 v14, v13;
	v13 =	vnsel vm2, $0x0, v14;
	v12 =	vld [tilespmem:s0+$0x0]  }
0x1eb: {  	s30 =	simm.s32 $0x180;
	s29 =	simm.s32 $0x30;
	v11 =	vadd.f32 v13, v15;
	v13 =	vimm.f32 $0.0e+00  }
.LBB2_27:
0x1ec: {  	s0 =	sand.u32 $0x1C00, s30  }
0x1ed: {  	p0 =	sne.s32 s29, $0x3D0;
	s31 =	smov.u32 s29;
	s29 =	sadd.s32 $0x10, s29  }
.Ltmp12:
0x1ee: {  	v9 =	vadd.s32 $0x10, v9;
	s31 =	sand.u32 $0x70, s31;
	s0 =	sadd.s32 s0, s28;
	v14 =	vpop (erf);
	(pc) =	sbr.rel @p0 .LBB2_27-.Ltmp12, $4  }
0x1ef: {  	s0 =	sadd.s32 s31, s0;
	v15 =	vadd.f32 $8.000000000e+00, v12;
	v16 =	vmul.f32 $1.442695020e+00, v12;
	v13 =	vadd.f32 v14, v13  }
0x1f0: {  	vm2 =	veq.s32 v9, v8;
	v12 =	vld [tilespmem:s0+$0x0]  }
0x1f1: {  	v10 =	vadd.f32 v15, v10;
	v14 =	vnsel vm2, $0x0, v15;
	(erf) = vpow2.f32 v16  }
0x1f2: {  	s30 =	sadd.s32 $0x80, s30;
	v11 =	vadd.f32 v14, v11  }
0x1f3: {  	s0 =	sor.u32 s25, s26  }
0x1f4: {  	s0 =	sor.u32 $0x1C58, s0  }
0x1f5: {  	v14 =	vld [tilespmem:s0+$0x0];
	_ =	sdelay $0x3  }
0x1f6: {  	v15 =	vmul.f32 $1.442695020e+00, v12  }
0x1f7: {  	v16 =	vmul.f32 $1.442695020e+00, v14  }
0x1f8: {  	(erf) = vpow2.f32 v15  }
0x1f9: {  	(erf) = vpow2.f32 v16;
	_ =	sdelay $0x3  }
0x1fa: {  	v53 =	vpop (erf)  }
0x1fb: {  	v13 =	vadd.f32 v53, v13  }
0x1fc: {  	v55 =	vadd.f32 $8.000000000e+00, v12;
	v54 =	vpop (erf)  }
0x1fd: {  	v9 =	vadd.s32 $0x10, v9;
	v13 =	vadd.f32 v54, v13  }
0x1fe: {  	vm2 =	veq.s32 v9, v8;
	v56 =	vadd.f32 v55, v10;
	v57 =	vpop (erf)  }
0x1ff: {  	v12 =	vnsel vm2, $0x0, v55;
	v58 =	vadd.f32 $8.000000000e+00, v14;
	v10 =	vadd.f32 v57, v13;
	v59 =	vpop (erf)  }
0x200: {  	vm2 =	veq.s32 v8, v1;
	v11 =	vadd.f32 v12, v11;
	v60 =	vsel vm0, $0x0, v59  }
0x201: {  	vm2 =	vmand vm2, vm1;
	v61 =	vsel vm0, $0x0, v58;
	v8 =	vadd.f32 v60, v10  }
0x202: {  	v62 =	vnsel vm2, $0x0, v58;
	v9 =	vadd.f32 v61, v56  }
0x203: {  	v10 =	vadd.f32 v62, v11;
	(xrf2) =	vadd.scan.msk.f32 $0xffff, v8  }
0x204: {  	(xrf2) =	vadd.scan.msk.f32 $0xffff, v9  }
0x205: {  	(xrf2) =	vadd.scan.msk.f32 $0xffff, v10;
	_ =	sdelay $0x7  }
0x206: {  	v8, _, _ =	vpop (xrf2)  }
0x207: {  	v9, _, _ =	vpop (xrf2);
	v8 =	vperm.xlane v8, v2  }
0x208: {  	v9 =	vperm.xlane v9, v2;
	v10, _, _ =	vpop (xrf2)  }
0x209: {  	(xrf0) =	vmax.scan.msk.f32 $0xffff, v8;
	v8 =	vperm.xlane v10, v2  }
0x20a: {  	(xrf0) =	vmax.scan.msk.f32 $0xffff, v9  }
0x20b: {  	(xrf0) =	vmax.scan.msk.f32 $0xffff, v8;
	_ =	sdelay $0x3  }
0x20c: {  	v8, _, _ =	vpop (xrf0)  }
0x20d: {  	v9, _, _ =	vpop (xrf0)  }
0x20e: {  	v63, _, _ =	vpop (xrf0)  }
0x20f: {  	s24 =	sadd.s32 $0x1, s24;
	v9 =	vadd.f32 $-8.000000000e+03, v9;
	v10 =	vadd.f32 $-8.000000000e+00, v63  }
0x210: {  	p0 =	sne.s32 s24, $0x10  }
.Ltmp13:
0x211: {  	v9 =	vmul.f32 $1.001001000e-04, v9;
	v10 =	vmul.f32 $8.998998990e-01, v10;
	(pc) =	sbr.rel @p0 .LBB2_26-.Ltmp13, $4  }
0x212: {  	_ = 	snop  }
0x213: {  	v9 =	vadd.f32 v10, v9  }
0x214: {  	vm2 =	veq.s32 v7, v0  }
0x215: {  	v6 =	vsel vm2, v8, v6;
	v3 =	vsel vm2, v9, v3  }
0x216: {  	[tilespmem:$0x80E0] =	vst v6  }
0x217: {  	[tilespmem:$0x8160] =	vst v3  }
0x218: {  	_ =	swait.ge [sflag:s19], $0x4000  }
0x219: {  	[sflag:s19] =	ssyncset.done $0x0  }
0x21a: {  	[sflag:s19] =	ssyncadd.s32 $0xFFFFC000  }
0x21b: {  	v3 =	vld [tilespmem:$0x8070];
	_ =	sdelay $0x3  }
0x21c: {  	v5 =	vimm.f32 $0.0e+00  }
0x21d: {  	s23 =	simm.s32 $0x0;
	v4 =	vimm.f32 $0.0e+00;
	v6 =	vimm.f32 $0.0e+00;
	s24 =	simm.s32 $0x0;
	v3 =	vxor.u32 $0x80000000, v3  }
.LBB2_30:
0x21e: {  	v7 =	vmov s24;
	v9 =	vlaneseq.u32  }
0x21f: {  	vm2 =	veq.s32 v7, v9  }
0x220: {  	v8 =	vnsel vm2, $0x80000000, v3  }
0x221: {  	(xrf0) =	vmax.scan.msk.u32 $0xffff, v8;
	_ =	sdelay $0x3  }
0x222: {  	s25 =	sshll.u32 s24, $0xA;
	s26 =	sshll.u32 s24, $0x7  }
0x223: {  	s0 =	sand.u32 $0x2000, s25;
	s28 =	sand.u32 $0x380, s26;
	v8 =	vmul.u32 $0xFFFFFFFF, v9  }
0x224: {  	s0 =	sor.u32 s28, s0;
	v10, _, _ =	vpop (xrf0)  }
0x225: {  	s31 =	sand.u32 $0x1C00, s23;
	s28 =	sor.u32 $0x4000, s0;
	v8 =	vadd.s32 $0xF, v8;
	v10 =	vxor.u32 $0x80000000, v10  }
0x226: {  	s29 =	sand.u32 $0x70, s23;
	s0 =	sadd.s32 s31, s28;
	v8 =	vperm.xlane v10, v8  }
0x227: {  	s0 =	sadd.s32 s29, s0  }
0x228: {  	s29 =	simm.s32 $0x80;
	v10 =	vld [tilespmem:s0+$0x0];
	v8 =	vxor.u32 $0x80000000, v8  }
0x229: {  	s30 =	simm.s32 $0x10;
	s31 =	sand.u32 $0x1C00, s29;
	(xrf0) =	vmax.scan.msk.u32 $0xffff, v8  }
0x22a: {  	s29 =	sand.u32 $0x70, s30;
	s0 =	sadd.s32 s31, s28  }
0x22b: {  	s0 =	sadd.s32 s29, s0  }
0x22c: {  	v11 =	vld [tilespmem:s0+$0x0]  }
0x22d: {  	v12 =	vadd.f32 $8.000000000e+00, v10;
	v10 =	vmul.f32 $1.442695020e+00, v10;
	_ =	sdelay $0x1  }
0x22e: {  	(erf) = vpow2.f32 v10;
	v8, _, _ =	vpop (xrf0)  }
0x22f: {  	s31 =	simm.s32 $0x100;
	v8 =	vxor.u32 $0x80000000, v8  }
0x230: {  	s29 =	simm.s32 $0x20;
	s0 =	sand.u32 $0x1C00, s31;
	v14 =	vadd.f32 $8.000000000e+00, v11;
	v11 =	vmul.f32 $1.442695020e+00, v11;
	vm2 =	veq.s32 v9, v8  }
0x231: {  	s29 =	sand.u32 $0x70, s29;
	s0 =	sadd.s32 s0, s28;
	v13 =	vadd.f32 v12, v5;
	v9 =	vadd.s32 $0x10, v9;
	v12 =	vnsel vm2, $0x0, v12  }
0x232: {  	s0 =	sadd.s32 s29, s0;
	(erf) = vpow2.f32 v11;
	vm2 =	veq.s32 v9, v8;
	v15 =	vadd.f32 v12, v5  }
0x233: {  	v10 =	vadd.f32 v14, v13;
	v13 =	vnsel vm2, $0x0, v14;
	v12 =	vld [tilespmem:s0+$0x0]  }
0x234: {  	s30 =	simm.s32 $0x180;
	s29 =	simm.s32 $0x30;
	v11 =	vadd.f32 v13, v15;
	v13 =	vimm.f32 $0.0e+00  }
.LBB2_31:
0x235: {  	s0 =	sand.u32 $0x1C00, s30  }
0x236: {  	p0 =	sne.s32 s29, $0x3D0;
	s31 =	smov.u32 s29;
	s29 =	sadd.s32 $0x10, s29  }
.Ltmp14:
0x237: {  	v9 =	vadd.s32 $0x10, v9;
	s31 =	sand.u32 $0x70, s31;
	s0 =	sadd.s32 s0, s28;
	v14 =	vpop (erf);
	(pc) =	sbr.rel @p0 .LBB2_31-.Ltmp14, $4  }
0x238: {  	s0 =	sadd.s32 s31, s0;
	v15 =	vadd.f32 $8.000000000e+00, v12;
	v16 =	vmul.f32 $1.442695020e+00, v12;
	v13 =	vadd.f32 v14, v13  }
0x239: {  	vm2 =	veq.s32 v9, v8;
	v12 =	vld [tilespmem:s0+$0x0]  }
0x23a: {  	v10 =	vadd.f32 v15, v10;
	v14 =	vnsel vm2, $0x0, v15;
	(erf) = vpow2.f32 v16  }
0x23b: {  	s30 =	sadd.s32 $0x80, s30;
	v11 =	vadd.f32 v14, v11  }
0x23c: {  	s0 =	sor.u32 s25, s26  }
0x23d: {  	s0 =	sor.u32 $0x1C58, s0  }
0x23e: {  	v14 =	vld [tilespmem:s0+$0x4000];
	_ =	sdelay $0x3  }
0x23f: {  	v15 =	vmul.f32 $1.442695020e+00, v12  }
0x240: {  	v16 =	vmul.f32 $1.442695020e+00, v14  }
0x241: {  	(erf) = vpow2.f32 v15  }
0x242: {  	(erf) = vpow2.f32 v16;
	_ =	sdelay $0x3  }
0x243: {  	v53 =	vpop (erf)  }
0x244: {  	v13 =	vadd.f32 v53, v13  }
0x245: {  	v55 =	vadd.f32 $8.000000000e+00, v12;
	v54 =	vpop (erf)  }
0x246: {  	v9 =	vadd.s32 $0x10, v9;
	v13 =	vadd.f32 v54, v13  }
0x247: {  	vm2 =	veq.s32 v9, v8;
	v56 =	vadd.f32 v55, v10;
	v57 =	vpop (erf)  }
0x248: {  	v12 =	vnsel vm2, $0x0, v55;
	v58 =	vadd.f32 $8.000000000e+00, v14;
	v10 =	vadd.f32 v57, v13;
	v59 =	vpop (erf)  }
0x249: {  	vm2 =	veq.s32 v8, v1;
	v11 =	vadd.f32 v12, v11;
	v60 =	vsel vm0, $0x0, v59  }
0x24a: {  	vm2 =	vmand vm2, vm1;
	v61 =	vsel vm0, $0x0, v58;
	v8 =	vadd.f32 v60, v10  }
0x24b: {  	v62 =	vnsel vm2, $0x0, v58;
	v9 =	vadd.f32 v61, v56  }
0x24c: {  	v10 =	vadd.f32 v62, v11;
	(xrf2) =	vadd.scan.msk.f32 $0xffff, v8  }
0x24d: {  	(xrf2) =	vadd.scan.msk.f32 $0xffff, v9  }
0x24e: {  	(xrf2) =	vadd.scan.msk.f32 $0xffff, v10;
	_ =	sdelay $0x7  }
0x24f: {  	v8, _, _ =	vpop (xrf2)  }
0x250: {  	v9, _, _ =	vpop (xrf2);
	v8 =	vperm.xlane v8, v2  }
0x251: {  	v9 =	vperm.xlane v9, v2;
	v10, _, _ =	vpop (xrf2)  }
0x252: {  	(xrf0) =	vmax.scan.msk.f32 $0xffff, v8;
	v8 =	vperm.xlane v10, v2  }
0x253: {  	(xrf0) =	vmax.scan.msk.f32 $0xffff, v9  }
0x254: {  	(xrf0) =	vmax.scan.msk.f32 $0xffff, v8;
	_ =	sdelay $0x3  }
0x255: {  	v8, _, _ =	vpop (xrf0)  }
0x256: {  	v9, _, _ =	vpop (xrf0)  }
0x257: {  	v63, _, _ =	vpop (xrf0)  }
0x258: {  	s24 =	sadd.s32 $0x1, s24;
	v9 =	vadd.f32 $-8.000000000e+03, v9;
	v10 =	vadd.f32 $-8.000000000e+00, v63  }
0x259: {  	p0 =	sne.s32 s24, $0x10  }
.Ltmp15:
0x25a: {  	v9 =	vmul.f32 $1.001001000e-04, v9;
	v10 =	vmul.f32 $8.998998990e-01, v10;
	(pc) =	sbr.rel @p0 .LBB2_30-.Ltmp15, $4  }
0x25b: {  	_ = 	snop  }
0x25c: {  	v9 =	vadd.f32 v10, v9  }
0x25d: {  	vm2 =	veq.s32 v7, v0  }
0x25e: {  	v6 =	vsel vm2, v8, v6;
	v4 =	vsel vm2, v9, v4  }
0x25f: {  	[tilespmem:$0x80F0] =	vst v6  }
0x260: {  	[tilespmem:$0x8170] =	vst v4  }
0x261: {  	[hbm4b:s12+s2] =	stream.linear.scatter [tilespmem:s20], [sflag:$0x3], $0x80, $0x38;
	[tilespmem:$0x8180] =	vst v63  }
0x262: {  	s22 =	sadd.s32 $0x1, s22;
	_ =	swait.ge [sflag:s16], $0x80  }
0x263: {  	p0 =	sne.s32 s22, s14;
	[sflag:s16] =	ssyncset.done $0x0  }
.Ltmp16:
0x264: {  	[sflag:s16] =	ssyncadd.s32 $0xFFFFFF80;
	(pc) =	sbr.rel @p0 .LBB2_1-.Ltmp16, $4  }
0x265: {  	[hbm4b:s13+s2] =	stream.linear.scatter [tilespmem:s21], [sflag:$0x3], $0x80, $0x38;
	[tilespmem:$0x8180] =	vst v63  }
0x266: {  	_ =	swait.ge [sflag:s16], $0x80  }
0x267: {  	[sflag:s16] =	ssyncset.done $0x0  }
0x268: {  	[sflag:s16] =	ssyncadd.s32 $0xFFFFFF80  }
0x269: {  	_ =	sfence.sel $0x180000  }
0x26a: {  	[bflag:$0x0] =	sbarrier.arrive $0xFFFF  }
0x26b: {  	_ =	strace $0x90000047  }
0x26c: {  	[bflag:$0x2] =	sbarrier.arrive $0xFFFF  }
0x26d: {  	p0 =	sne.s32 s1, $0x0;
	s0 =	rddreg [dreg:$0x2]  }
0x26e: {  	s0 =	sadd.s32 @!p0 $0x100000, s0  }
0x26f: {  	[sflag:s0] =	ssyncadd.tile.s32 @!p0 $0x1;
	_ =	shalt  }
.Lfunc_end2:
_tile_overlayer_lowered:
.L_overlay_start_2:
0x270: {  	(tag) =	ssettag $0x2  }
0x271: {  	s0 =	rddreg [dreg:$0x0];
	s2 =	stileid.u32  }
0x272: {  	s1 =	rddreg [dreg:$0x1];
	p0 =	sne.s32 s2, $0x0  }
0x273: {  	s3 =	rddreg [dreg:$0x2];
	[bflag:$0x3] =	sbarrier.arrive $0xFFFF;
	s2 =	simm.s32 @!p0 $0x1C03  }
0x274: {  	[timem:s3], [sflag:s2] =	dma.local @!p0 [hbm:s0], s1  }
0x275: {  	s0 =	simm.s32 @!p0 $0x3  }
0x276: {  	_ =	swait.ge @!p0 [sflag:s0], s1  }
0x277: {  	s1 =	ssub.s32 @!p0 $0x0, s1;
	[sflag:s0] =	ssyncset.done @!p0 $0x0  }
0x278: {  	[sflag:s0] =	ssyncadd.s32 @!p0 s1  }
0x279: {  	[bflag:$0x3] =	sbarrier.arrive $0xFFFF  }
0x27a: {  	_ =	shalt  }

</sc_bundles>
